<compile_context>
chip_gen: v7x
topology: tpu7x:2x2x1
jax: 0.10.2.dev20260603
libtpu: 0.0.44.dev20260713+nightly
codegen_flags: <defaults>
</compile_context>

<pallas_src>
import jax
import jax.numpy as jnp
from jax import lax
from jax.experimental import pallas as pl
from jax.experimental.pallas import tpu as pltpu
from jax.experimental.pallas import tpu_sc as plsc

_N = 10000
_D = 128
_E = 320000
_SCALE = 0.8
_NC = 2
_NS = 16
_CH = 128
_NCHUNK = 80
_NPAD = 10240
_EPAD = _NC * _NS * _NCHUNK * _CH
_RPT = _NPAD // _NS
_C0 = 120
_C1 = 40
_CPAD = 2688
_NACC = 10240
_RPTA = _NACC // _NS
_BLK = 1024
_GRID = _NPAD // _BLK

_mesh = plsc.VectorSubcoreMesh(core_axis_name="c", subcore_axis_name="s")


def _deg_body(dst_hbm, ones_hbm, out_hbm, dstv, onesv, deg_sh, sem):
    c = lax.axis_index("c")
    s = lax.axis_index("s")
    wid = c * _NS + s
    tb = s * _RPT
    pltpu.sync_copy(dst_hbm.at[wid], dstv)
    pltpu.sync_copy(ones_hbm, onesv)
    for k in range(_RPT // _CH):
        pltpu.sync_copy(onesv, deg_sh.at[pl.ds(tb + k * _CH, _CH)])
    plsc.subcore_barrier()

    def body(j, carry):
        pltpu.async_copy(onesv, deg_sh.at[dstv.at[j]], sem, add=True)
        return carry

    lax.fori_loop(0, _NCHUNK, body, 0)

    def drain(j, carry):
        pltpu.make_async_copy(onesv, deg_sh.at[dstv.at[0]], sem).wait()
        return carry

    lax.fori_loop(0, _NCHUNK, drain, 0)
    plsc.subcore_barrier()
    pltpu.sync_copy(deg_sh.at[pl.ds(tb, _RPT)],
                    out_hbm.at[pl.ds(c * _NPAD + tb, _RPT)])


_deg_call = pl.kernel(
    _deg_body,
    out_type=jax.ShapeDtypeStruct((_NC * _NPAD, 8), jnp.float32),
    mesh=_mesh,
    scratch_types=[
        pltpu.VMEM((_NCHUNK, _CH), jnp.int32),
        pltpu.VMEM((_CH, 8), jnp.float32),
        pltpu.VMEM_SHARED((_NPAD, 8), jnp.float32),
        pltpu.SemaphoreType.DMA,
    ],
)


def _scat_body(src_hbm, dst_hbm, hs_hbm, out_hbm, srcv, dstv, rows, acc_sh, sem):
    c = lax.axis_index("c")
    s = lax.axis_index("s")
    wid = c * _NS + s
    tb = s * _RPTA
    pltpu.sync_copy(src_hbm.at[wid], srcv)
    pltpu.sync_copy(dst_hbm.at[wid], dstv)
    pltpu.sync_copy(hs_hbm.at[pl.ds(tb, _RPTA)], acc_sh.at[pl.ds(tb, _RPTA)])
    plsc.subcore_barrier()

    def body(j, carry):
        pltpu.async_copy(hs_hbm.at[srcv.at[j]], rows, sem).wait()
        pltpu.sync_copy(rows, acc_sh.at[dstv.at[j]], add=True)
        return carry

    lax.fori_loop(0, _NCHUNK, body, 0)
    plsc.subcore_barrier()
    pltpu.sync_copy(acc_sh.at[pl.ds(tb, _RPTA)],
                    out_hbm.at[pl.ds(c * _NACC + tb, _RPTA)])


_scat_call = pl.kernel(
    _scat_body,
    out_type=jax.ShapeDtypeStruct((_NC * _NACC, _D), jnp.float32),
    mesh=_mesh,
    scratch_types=[
        pltpu.VMEM((_NCHUNK, _CH), jnp.int32),
        pltpu.VMEM((_NCHUNK, _CH), jnp.int32),
        pltpu.VMEM((_CH, _D), jnp.float32),
        pltpu.VMEM_SHARED((_NACC, _D), jnp.float32),
        pltpu.SemaphoreType.DMA,
    ],
)


def _mm_body(x_ref, wi_ref, bi_ref, w2a_ref, b2a_ref, w2b_ref,
             z_ref, h_ref, z2_ref):
    xb = x_ref[...]
    z = jnp.dot(xb, wi_ref[...], preferred_element_type=jnp.float32) + bi_ref[...]
    z_ref[...] = z
    p = jnp.dot(z, w2a_ref[...], preferred_element_type=jnp.float32) + b2a_ref[...]
    nrm = jnp.sqrt(jnp.sum(p * p, axis=1, keepdims=True))
    h_ref[...] = p / jnp.maximum(nrm, 1e-12) * _SCALE
    q = jnp.dot(xb, w2b_ref[...], preferred_element_type=jnp.float32)
    nq = jnp.sqrt(jnp.sum(q * q, axis=1, keepdims=True))
    z2_ref[...] = q / jnp.maximum(nq, 1e-12) * _SCALE


_mm_call = pl.pallas_call(
    _mm_body,
    grid=(_GRID,),
    in_specs=[
        pl.BlockSpec((_BLK, _D), lambda i: (i, 0)),
        pl.BlockSpec((_D, _D), lambda i: (0, 0)),
        pl.BlockSpec((1, _D), lambda i: (0, 0)),
        pl.BlockSpec((_D, _D), lambda i: (0, 0)),
        pl.BlockSpec((1, _D), lambda i: (0, 0)),
        pl.BlockSpec((_D, _D), lambda i: (0, 0)),
    ],
    out_specs=[
        pl.BlockSpec((_BLK, _D), lambda i: (i, 0)),
        pl.BlockSpec((_BLK, _D), lambda i: (i, 0)),
        pl.BlockSpec((_BLK, _D), lambda i: (i, 0)),
    ],
    out_shape=[
        jax.ShapeDtypeStruct((_NPAD, _D), jnp.float32),
        jax.ShapeDtypeStruct((_NPAD, _D), jnp.float32),
        jax.ShapeDtypeStruct((_NPAD, _D), jnp.float32),
    ],
)


def _hs_body(h_ref, d0_ref, d1_ref, hs_ref, dinv_ref):
    deg = d0_ref[...] + d1_ref[...] - 1.0
    dinv = 1.0 / jnp.sqrt(deg)
    dinv_ref[...] = dinv
    rows = pl.program_id(0) * _BLK + lax.broadcasted_iota(jnp.int32, (_BLK, 1), 0)
    hs_ref[...] = jnp.where(rows < _N, h_ref[...] * dinv[:, :1], 0.0)


_hs_call = pl.pallas_call(
    _hs_body,
    grid=(_GRID,),
    in_specs=[
        pl.BlockSpec((_BLK, _D), lambda i: (i, 0)),
        pl.BlockSpec((_BLK, 8), lambda i: (i, 0)),
        pl.BlockSpec((_BLK, 8), lambda i: (i + _GRID, 0)),
    ],
    out_specs=[
        pl.BlockSpec((_BLK, _D), lambda i: (i, 0)),
        pl.BlockSpec((_BLK, 8), lambda i: (i, 0)),
    ],
    out_shape=[
        jax.ShapeDtypeStruct((_NPAD, _D), jnp.float32),
        jax.ShapeDtypeStruct((_NPAD, 8), jnp.float32),
    ],
)


def _comb_body(z_ref, hs_ref, dinv_ref, z2_ref, a0_ref, a1_ref, out_ref):
    z1 = dinv_ref[...][:, :1] * (a0_ref[...] + a1_ref[...] - hs_ref[...])
    out_ref[:, 0:_D] = z_ref[...]
    out_ref[:, _D:2 * _D] = z1
    out_ref[:, 2 * _D:3 * _D] = z2_ref[...]


_comb_call = pl.pallas_call(
    _comb_body,
    grid=(_GRID,),
    in_specs=[
        pl.BlockSpec((_BLK, _D), lambda i: (i, 0)),
        pl.BlockSpec((_BLK, _D), lambda i: (i, 0)),
        pl.BlockSpec((_BLK, 8), lambda i: (i, 0)),
        pl.BlockSpec((_BLK, _D), lambda i: (i, 0)),
        pl.BlockSpec((_BLK, _D), lambda i: (i, 0)),
        pl.BlockSpec((_BLK, _D), lambda i: (i + _GRID, 0)),
    ],
    out_specs=pl.BlockSpec((_BLK, 3 * _D), lambda i: (i, 0)),
    out_shape=jax.ShapeDtypeStruct((_N, 3 * _D), jnp.float32),
)


@jax.jit
def kernel(x, edge_index, Wi, bi, W1a, b1a, W2a, b2a, W1b, W2b):
    src = edge_index[0]
    dst = edge_index[1]
    pad = _EPAD - _E
    ar = jnp.arange(pad, dtype=jnp.int32)
    pad_src = ar % jnp.int32(_N)
    pad_dst = jnp.int32(_N) + ar % jnp.int32(_NACC - _N)
    srcp = jnp.concatenate([src, pad_src]).reshape(_NC * _NS, _NCHUNK, _CH)
    dstp = jnp.concatenate([dst, pad_dst]).reshape(_NC * _NS, _NCHUNK, _CH)
    xp = jnp.pad(x, ((0, _NPAD - _N), (0, 0)))
    ones8 = jnp.ones((_CH, 8), jnp.float32)

    deg = _deg_call(dstp, ones8)
    z, h, z2 = _mm_call(xp, Wi, bi.reshape(1, _D), W2a,
                        b2a.reshape(1, _D), W2b)
    hs, dinv = _hs_call(h, deg, deg)
    acc = _scat_call(srcp, dstp, hs)
    return _comb_call(z, hs, dinv, z2, acc, acc)

# --- scband reference (transcript-rebuilt; emitter-appended) ---
"""Pipeline reference for scband-dva-10823317586232 (READ-ONLY COPY).

The authoritative reference and input builder live on the scoring server;
editing this copy changes nothing except your own understanding.
"""

import jax, jax.numpy as jnp
import numpy as np

N = 10000
E = 320000
D = 128
OUT = 128
SC = 0.8
MAX_LOGSTD = 10.0


def setup_inputs(seed: int = 0) -> dict:
    key = jax.random.key(seed)
    ks = jax.random.split(key, 12)
    x = jax.random.normal(ks[0], (N, D), dtype=jnp.float32)
    edge_index = jax.random.randint(ks[1], (2, E), 0, N, dtype=jnp.int32)
    s = 0.05
    Wi = jax.random.normal(ks[2], (D, OUT), dtype=jnp.float32) * s
    bi = jnp.zeros((OUT,), dtype=jnp.float32)
    W1a = jax.random.normal(ks[3], (OUT, OUT), dtype=jnp.float32) * s
    b1a = jnp.zeros((OUT,), dtype=jnp.float32)
    W2a = jax.random.normal(ks[4], (OUT, OUT), dtype=jnp.float32) * s
    b2a = jnp.zeros((OUT,), dtype=jnp.float32)
    W1b = jax.random.normal(ks[5], (D, OUT), dtype=jnp.float32) * s
    W2b = jax.random.normal(ks[6], (D, OUT), dtype=jnp.float32) * s
    return {"x": x, "edge_index": edge_index, "Wi": Wi, "bi": bi,
            "W1a": W1a, "b1a": b1a, "W2a": W2a, "b2a": b2a,
            "W1b": W1b, "W2b": W2b}


def _gcn_prop(x, src, dst, n):
    # APPNP(K=1, alpha=0) == one symmetric-normalized propagation with self-loops
    loop = jnp.arange(n, dtype=src.dtype)
    src2 = jnp.concatenate([src, loop])
    dst2 = jnp.concatenate([dst, loop])
    deg = jnp.zeros((n,), x.dtype).at[dst2].add(1.0)
    dinv = jnp.where(deg > 0, 1.0 / jnp.sqrt(deg), 0.0)
    w = dinv[src2] * dinv[dst2]
    msg = x[src2] * w[:, None]
    return jnp.zeros((n, x.shape[1]), x.dtype).at[dst2].add(msg)


def _l2norm(x):
    nrm = jnp.sqrt(jnp.sum(x * x, axis=1, keepdims=True))
    return x / jnp.maximum(nrm, 1e-12)


def reference(x, edge_index, Wi, bi, W1a, b1a, W2a, b2a, W1b, W2b):
    src, dst = edge_index[0], edge_index[1]
    # InputEncoder (linear)
    z = x @ Wi + bi
    # VGAEEncode1 (eval mode -> z1 = mu1); VGAEEncoder1.forward returns (mu, logstd)
    logstd1 = _gcn_prop(z @ W1a + b1a, src, dst, N)
    mu1 = _gcn_prop(_l2norm(z @ W2a + b2a) * SC, src, dst, N)
    logstd1 = jnp.minimum(logstd1, MAX_LOGSTD)
    z1 = mu1
    # VGAEEncode2 (eval mode -> z2 = mu2)
    logstd2 = jnp.minimum(x @ W1b, MAX_LOGSTD)
    z2 = _l2norm(x @ W2b) * SC
    # get_z: concat [z, z1, z2]
    z0 = jnp.concatenate([z, z1, z2], axis=1)
    return z0

if __name__ == "__main__":
    import jax
    _d = setup_inputs()
    print(jax.jit(kernel)(*tuple(_d.values())))

</pallas_src>

<mosaic_0001>
#map = affine_map<(d0, d1) -> (0, 0, 0)>
#map1 = affine_map<(d0, d1) -> (0, 0)>
module attributes {stable_mosaic.version = 14 : i64} {
  func.func @_deg_body(%arg0: i32, %arg1: i32, %arg2: memref<32x80x128xi32, #tpu.memory_space<hbm>>, %arg3: memref<128x8xf32, #tpu.memory_space<hbm>>, %arg4: memref<20480x8xf32, #tpu.memory_space<hbm>>, %arg5: memref<80x128xi32, #tpu.memory_space<vmem>>, %arg6: memref<128x8xf32, #tpu.memory_space<vmem>>, %arg7: memref<10240x8xf32, #tpu.memory_space<vmem_shared>>, %arg8: memref<!tpu.dma_semaphore, #tpu.memory_space<semaphore_mem>>) attributes {dimension_semantics = [#tpu.dimension_semantics<core_parallel>, #tpu.dimension_semantics<subcore_parallel>], iteration_bounds = array<i64: 2, 16>, scalar_prefetch = 0 : i64, scratch_operands = 4 : i64, tpu.core_type = #tpu.core_type<sc_vector_subcore>, window_params = [{transform_indices = #map}, {transform_indices = #map1}, {transform_indices = #map1}]} {
    %mul3A = arith.constant 16 : i32
    %mul3A_0 = arith.muli %arg0, %mul3A : i32
    %add3A = arith.addi %mul3A_0, %arg1 : i32
    %mul3A_1 = arith.constant 640 : i32
    %mul3A_2 = arith.muli %arg1, %mul3A_1 : i32
    "tpu.region"() ({
      %run_scoped3A = tpu.sem_alloc : memref<!tpu.dma_semaphore, #tpu.memory_space<semaphore_mem>>
      %dma_start3A = arith.constant 0 : i32
      %dma_start3A_28 = arith.constant 0 : i32
      %dma_start3A_29 = tpu.memref_slice %arg2[%add3A, %dma_start3A, %dma_start3A_28] : memref<32x80x128xi32, #tpu.memory_space<hbm>> -> memref<1x80x128xi32, #tpu.memory_space<hbm>>
      %dma_start3A_30 = tpu.memref_squeeze %dma_start3A_29 : memref<1x80x128xi32, #tpu.memory_space<hbm>> -> memref<80x128xi32, #tpu.memory_space<hbm>>
      %dma_start3A_31 = arith.constant 0 : i32
      %dma_start3A_32 = arith.constant 0 : i32
      %dma_start3A_33 = tpu.memref_slice %arg2[%add3A, %dma_start3A_31, %dma_start3A_32] : memref<32x80x128xi32, #tpu.memory_space<hbm>> -> memref<1x80x128xi32, #tpu.memory_space<hbm>>
      %dma_start3A_34 = tpu.memref_squeeze %dma_start3A_33 : memref<1x80x128xi32, #tpu.memory_space<hbm>> -> memref<80x128xi32, #tpu.memory_space<hbm>>
      tpu.enqueue_dma source(%dma_start3A_34 : memref<80x128xi32, #tpu.memory_space<hbm>>) target(%arg5 : memref<80x128xi32, #tpu.memory_space<vmem>>) target_semaphore(%run_scoped3A : memref<!tpu.dma_semaphore, #tpu.memory_space<semaphore_mem>>)
      %dma_wait3A = arith.constant 0 : i32
      %dma_wait3A_35 = arith.constant 0 : i32
      %dma_wait3A_36 = tpu.memref_slice %arg2[%add3A, %dma_wait3A, %dma_wait3A_35] : memref<32x80x128xi32, #tpu.memory_space<hbm>> -> memref<1x80x128xi32, #tpu.memory_space<hbm>>
      %dma_wait3A_37 = tpu.memref_squeeze %dma_wait3A_36 : memref<1x80x128xi32, #tpu.memory_space<hbm>> -> memref<80x128xi32, #tpu.memory_space<hbm>>
      %dma_wait3A_38 = arith.constant 0 : i32
      %dma_wait3A_39 = arith.constant 0 : i32
      %dma_wait3A_40 = tpu.memref_slice %arg2[%add3A, %dma_wait3A_38, %dma_wait3A_39] : memref<32x80x128xi32, #tpu.memory_space<hbm>> -> memref<1x80x128xi32, #tpu.memory_space<hbm>>
      %dma_wait3A_41 = tpu.memref_squeeze %dma_wait3A_40 : memref<1x80x128xi32, #tpu.memory_space<hbm>> -> memref<80x128xi32, #tpu.memory_space<hbm>>
      tpu.wait_dma2 semaphore(%run_scoped3A : memref<!tpu.dma_semaphore, #tpu.memory_space<semaphore_mem>>) src(%dma_wait3A_41 : memref<80x128xi32, #tpu.memory_space<hbm>>) dst(%arg5 : memref<80x128xi32, #tpu.memory_space<vmem>>)
      tpu.yield
    }) : () -> ()
    "tpu.region"() ({
      %run_scoped3A = tpu.sem_alloc : memref<!tpu.dma_semaphore, #tpu.memory_space<semaphore_mem>>
      tpu.enqueue_dma source(%arg3 : memref<128x8xf32, #tpu.memory_space<hbm>>) target(%arg6 : memref<128x8xf32, #tpu.memory_space<vmem>>) target_semaphore(%run_scoped3A : memref<!tpu.dma_semaphore, #tpu.memory_space<semaphore_mem>>)
      tpu.wait_dma2 semaphore(%run_scoped3A : memref<!tpu.dma_semaphore, #tpu.memory_space<semaphore_mem>>) src(%arg3 : memref<128x8xf32, #tpu.memory_space<hbm>>) dst(%arg6 : memref<128x8xf32, #tpu.memory_space<vmem>>)
      tpu.yield
    }) : () -> ()
    %add3A_3 = arith.constant 0 : i32
    %add3A_4 = arith.addi %mul3A_2, %add3A_3 : i32
    "tpu.region"() ({
      %run_scoped3A = tpu.sem_alloc : memref<!tpu.dma_semaphore, #tpu.memory_space<semaphore_mem>>
      %dma_start3A = arith.constant 0 : i32
      %dma_start3A_28 = tpu.memref_slice %arg7[%add3A_4, %dma_start3A] : memref<10240x8xf32, #tpu.memory_space<vmem_shared>> -> memref<128x8xf32, #tpu.memory_space<vmem_shared>>
      %dma_start3A_29 = arith.constant 0 : i32
      %dma_start3A_30 = tpu.memref_slice %arg7[%add3A_4, %dma_start3A_29] : memref<10240x8xf32, #tpu.memory_space<vmem_shared>> -> memref<128x8xf32, #tpu.memory_space<vmem_shared>>
      tpu.enqueue_dma source(%arg6 : memref<128x8xf32, #tpu.memory_space<vmem>>) target(%dma_start3A_30 : memref<128x8xf32, #tpu.memory_space<vmem_shared>>) target_semaphore(%run_scoped3A : memref<!tpu.dma_semaphore, #tpu.memory_space<semaphore_mem>>)
      %dma_wait3A = arith.constant 0 : i32
      %dma_wait3A_31 = tpu.memref_slice %arg7[%add3A_4, %dma_wait3A] : memref<10240x8xf32, #tpu.memory_space<vmem_shared>> -> memref<128x8xf32, #tpu.memory_space<vmem_shared>>
      %dma_wait3A_32 = arith.constant 0 : i32
      %dma_wait3A_33 = tpu.memref_slice %arg7[%add3A_4, %dma_wait3A_32] : memref<10240x8xf32, #tpu.memory_space<vmem_shared>> -> memref<128x8xf32, #tpu.memory_space<vmem_shared>>
      tpu.wait_dma2 semaphore(%run_scoped3A : memref<!tpu.dma_semaphore, #tpu.memory_space<semaphore_mem>>) src(%arg6 : memref<128x8xf32, #tpu.memory_space<vmem>>) dst(%dma_wait3A_33 : memref<128x8xf32, #tpu.memory_space<vmem_shared>>)
      tpu.yield
    }) : () -> ()
    %add3A_5 = arith.constant 128 : i32
    %add3A_6 = arith.addi %mul3A_2, %add3A_5 : i32
    "tpu.region"() ({
      %run_scoped3A = tpu.sem_alloc : memref<!tpu.dma_semaphore, #tpu.memory_space<semaphore_mem>>
      %dma_start3A = arith.constant 0 : i32
      %dma_start3A_28 = tpu.memref_slice %arg7[%add3A_6, %dma_start3A] : memref<10240x8xf32, #tpu.memory_space<vmem_shared>> -> memref<128x8xf32, #tpu.memory_space<vmem_shared>>
      %dma_start3A_29 = arith.constant 0 : i32
      %dma_start3A_30 = tpu.memref_slice %arg7[%add3A_6, %dma_start3A_29] : memref<10240x8xf32, #tpu.memory_space<vmem_shared>> -> memref<128x8xf32, #tpu.memory_space<vmem_shared>>
      tpu.enqueue_dma source(%arg6 : memref<128x8xf32, #tpu.memory_space<vmem>>) target(%dma_start3A_30 : memref<128x8xf32, #tpu.memory_space<vmem_shared>>) target_semaphore(%run_scoped3A : memref<!tpu.dma_semaphore, #tpu.memory_space<semaphore_mem>>)
      %dma_wait3A = arith.constant 0 : i32
      %dma_wait3A_31 = tpu.memref_slice %arg7[%add3A_6, %dma_wait3A] : memref<10240x8xf32, #tpu.memory_space<vmem_shared>> -> memref<128x8xf32, #tpu.memory_space<vmem_shared>>
      %dma_wait3A_32 = arith.constant 0 : i32
      %dma_wait3A_33 = tpu.memref_slice %arg7[%add3A_6, %dma_wait3A_32] : memref<10240x8xf32, #tpu.memory_space<vmem_shared>> -> memref<128x8xf32, #tpu.memory_space<vmem_shared>>
      tpu.wait_dma2 semaphore(%run_scoped3A : memref<!tpu.dma_semaphore, #tpu.memory_space<semaphore_mem>>) src(%arg6 : memref<128x8xf32, #tpu.memory_space<vmem>>) dst(%dma_wait3A_33 : memref<128x8xf32, #tpu.memory_space<vmem_shared>>)
      tpu.yield
    }) : () -> ()
    %add3A_7 = arith.constant 256 : i32
    %add3A_8 = arith.addi %mul3A_2, %add3A_7 : i32
    "tpu.region"() ({
      %run_scoped3A = tpu.sem_alloc : memref<!tpu.dma_semaphore, #tpu.memory_space<semaphore_mem>>
      %dma_start3A = arith.constant 0 : i32
      %dma_start3A_28 = tpu.memref_slice %arg7[%add3A_8, %dma_start3A] : memref<10240x8xf32, #tpu.memory_space<vmem_shared>> -> memref<128x8xf32, #tpu.memory_space<vmem_shared>>
      %dma_start3A_29 = arith.constant 0 : i32
      %dma_start3A_30 = tpu.memref_slice %arg7[%add3A_8, %dma_start3A_29] : memref<10240x8xf32, #tpu.memory_space<vmem_shared>> -> memref<128x8xf32, #tpu.memory_space<vmem_shared>>
      tpu.enqueue_dma source(%arg6 : memref<128x8xf32, #tpu.memory_space<vmem>>) target(%dma_start3A_30 : memref<128x8xf32, #tpu.memory_space<vmem_shared>>) target_semaphore(%run_scoped3A : memref<!tpu.dma_semaphore, #tpu.memory_space<semaphore_mem>>)
      %dma_wait3A = arith.constant 0 : i32
      %dma_wait3A_31 = tpu.memref_slice %arg7[%add3A_8, %dma_wait3A] : memref<10240x8xf32, #tpu.memory_space<vmem_shared>> -> memref<128x8xf32, #tpu.memory_space<vmem_shared>>
      %dma_wait3A_32 = arith.constant 0 : i32
      %dma_wait3A_33 = tpu.memref_slice %arg7[%add3A_8, %dma_wait3A_32] : memref<10240x8xf32, #tpu.memory_space<vmem_shared>> -> memref<128x8xf32, #tpu.memory_space<vmem_shared>>
      tpu.wait_dma2 semaphore(%run_scoped3A : memref<!tpu.dma_semaphore, #tpu.memory_space<semaphore_mem>>) src(%arg6 : memref<128x8xf32, #tpu.memory_space<vmem>>) dst(%dma_wait3A_33 : memref<128x8xf32, #tpu.memory_space<vmem_shared>>)
      tpu.yield
    }) : () -> ()
    %add3A_9 = arith.constant 384 : i32
    %add3A_10 = arith.addi %mul3A_2, %add3A_9 : i32
    "tpu.region"() ({
      %run_scoped3A = tpu.sem_alloc : memref<!tpu.dma_semaphore, #tpu.memory_space<semaphore_mem>>
      %dma_start3A = arith.constant 0 : i32
      %dma_start3A_28 = tpu.memref_slice %arg7[%add3A_10, %dma_start3A] : memref<10240x8xf32, #tpu.memory_space<vmem_shared>> -> memref<128x8xf32, #tpu.memory_space<vmem_shared>>
      %dma_start3A_29 = arith.constant 0 : i32
      %dma_start3A_30 = tpu.memref_slice %arg7[%add3A_10, %dma_start3A_29] : memref<10240x8xf32, #tpu.memory_space<vmem_shared>> -> memref<128x8xf32, #tpu.memory_space<vmem_shared>>
      tpu.enqueue_dma source(%arg6 : memref<128x8xf32, #tpu.memory_space<vmem>>) target(%dma_start3A_30 : memref<128x8xf32, #tpu.memory_space<vmem_shared>>) target_semaphore(%run_scoped3A : memref<!tpu.dma_semaphore, #tpu.memory_space<semaphore_mem>>)
      %dma_wait3A = arith.constant 0 : i32
      %dma_wait3A_31 = tpu.memref_slice %arg7[%add3A_10, %dma_wait3A] : memref<10240x8xf32, #tpu.memory_space<vmem_shared>> -> memref<128x8xf32, #tpu.memory_space<vmem_shared>>
      %dma_wait3A_32 = arith.constant 0 : i32
      %dma_wait3A_33 = tpu.memref_slice %arg7[%add3A_10, %dma_wait3A_32] : memref<10240x8xf32, #tpu.memory_space<vmem_shared>> -> memref<128x8xf32, #tpu.memory_space<vmem_shared>>
      tpu.wait_dma2 semaphore(%run_scoped3A : memref<!tpu.dma_semaphore, #tpu.memory_space<semaphore_mem>>) src(%arg6 : memref<128x8xf32, #tpu.memory_space<vmem>>) dst(%dma_wait3A_33 : memref<128x8xf32, #tpu.memory_space<vmem_shared>>)
      tpu.yield
    }) : () -> ()
    %add3A_11 = arith.constant 512 : i32
    %add3A_12 = arith.addi %mul3A_2, %add3A_11 : i32
    "tpu.region"() ({
      %run_scoped3A = tpu.sem_alloc : memref<!tpu.dma_semaphore, #tpu.memory_space<semaphore_mem>>
      %dma_start3A = arith.constant 0 : i32
      %dma_start3A_28 = tpu.memref_slice %arg7[%add3A_12, %dma_start3A] : memref<10240x8xf32, #tpu.memory_space<vmem_shared>> -> memref<128x8xf32, #tpu.memory_space<vmem_shared>>
      %dma_start3A_29 = arith.constant 0 : i32
      %dma_start3A_30 = tpu.memref_slice %arg7[%add3A_12, %dma_start3A_29] : memref<10240x8xf32, #tpu.memory_space<vmem_shared>> -> memref<128x8xf32, #tpu.memory_space<vmem_shared>>
      tpu.enqueue_dma source(%arg6 : memref<128x8xf32, #tpu.memory_space<vmem>>) target(%dma_start3A_30 : memref<128x8xf32, #tpu.memory_space<vmem_shared>>) target_semaphore(%run_scoped3A : memref<!tpu.dma_semaphore, #tpu.memory_space<semaphore_mem>>)
      %dma_wait3A = arith.constant 0 : i32
      %dma_wait3A_31 = tpu.memref_slice %arg7[%add3A_12, %dma_wait3A] : memref<10240x8xf32, #tpu.memory_space<vmem_shared>> -> memref<128x8xf32, #tpu.memory_space<vmem_shared>>
      %dma_wait3A_32 = arith.constant 0 : i32
      %dma_wait3A_33 = tpu.memref_slice %arg7[%add3A_12, %dma_wait3A_32] : memref<10240x8xf32, #tpu.memory_space<vmem_shared>> -> memref<128x8xf32, #tpu.memory_space<vmem_shared>>
      tpu.wait_dma2 semaphore(%run_scoped3A : memref<!tpu.dma_semaphore, #tpu.memory_space<semaphore_mem>>) src(%arg6 : memref<128x8xf32, #tpu.memory_space<vmem>>) dst(%dma_wait3A_33 : memref<128x8xf32, #tpu.memory_space<vmem_shared>>)
      tpu.yield
    }) : () -> ()
    %barrier3A = arith.constant 0 : index
    tpu.barrier barrier_id(%barrier3A)
    %scan3A = arith.constant 0 : i32
    %scan3A_13 = arith.constant 0 : i32
    %scan3A_14 = arith.constant 80 : i32
    %scan3A_15 = arith.addi %scan3A_13, %scan3A_14 : i32
    %scan3A_16 = arith.constant 1 : i32
    scf.for %scan3A_28 = %scan3A_13 to %scan3A_15 step %scan3A_16  : i32 {
      %dma_start3A = arith.constant 0 : i32
      %dma_start3A_29 = tpu.memref_slice %arg5[%scan3A_28, %dma_start3A] : memref<80x128xi32, #tpu.memory_space<vmem>> -> memref<1x128xi32, #tpu.memory_space<vmem>>
      %dma_start3A_30 = tpu.memref_squeeze %dma_start3A_29 : memref<1x128xi32, #tpu.memory_space<vmem>> -> memref<128xi32, #tpu.memory_space<vmem>>
      %dma_start3A_31 = arith.constant 0 : i32
      %dma_start3A_32 = arith.constant 0 : i32
      %dma_start3A_33 = tpu.memref_slice %arg7[%dma_start3A_31, %dma_start3A_32] : memref<10240x8xf32, #tpu.memory_space<vmem_shared>> -> memref<10240x8xf32, #tpu.memory_space<vmem_shared>>
      tpu.enqueue_indirect_dma source(%arg6 : memref<128x8xf32, #tpu.memory_space<vmem>>) target(%dma_start3A_33 : memref<10240x8xf32, #tpu.memory_space<vmem_shared>>) offsets(%dma_start3A_30 : memref<128xi32, #tpu.memory_space<vmem>>) semaphore(%arg8 : memref<!tpu.dma_semaphore, #tpu.memory_space<semaphore_mem>>) {add = true}
    }
    %scan3A_17 = arith.constant 80 : i32
    %scan3A_18 = arith.constant 0 : i32
    %scan3A_19 = arith.constant 0 : i32
    %scan3A_20 = arith.constant 80 : i32
    %scan3A_21 = arith.addi %scan3A_19, %scan3A_20 : i32
    %scan3A_22 = arith.constant 1 : i32
    scf.for %scan3A_28 = %scan3A_19 to %scan3A_21 step %scan3A_22  : i32 {
      %dma_wait3A = arith.constant 0 : i32
      %dma_wait3A_29 = arith.constant 0 : i32
      %dma_wait3A_30 = tpu.memref_slice %arg5[%dma_wait3A, %dma_wait3A_29] : memref<80x128xi32, #tpu.memory_space<vmem>> -> memref<1x128xi32, #tpu.memory_space<vmem>>
      %dma_wait3A_31 = tpu.memref_squeeze %dma_wait3A_30 : memref<1x128xi32, #tpu.memory_space<vmem>> -> memref<128xi32, #tpu.memory_space<vmem>>
      %dma_wait3A_32 = arith.constant 0 : i32
      %dma_wait3A_33 = arith.constant 0 : i32
      %dma_wait3A_34 = tpu.memref_slice %arg7[%dma_wait3A_32, %dma_wait3A_33] : memref<10240x8xf32, #tpu.memory_space<vmem_shared>> -> memref<10240x8xf32, #tpu.memory_space<vmem_shared>>
      tpu.wait_indirect_dma semaphore(%arg8 : memref<!tpu.dma_semaphore, #tpu.memory_space<semaphore_mem>>) src(%arg6 : memref<128x8xf32, #tpu.memory_space<vmem>>) dst(%dma_wait3A_34 : memref<10240x8xf32, #tpu.memory_space<vmem_shared>>)
    }
    %scan3A_23 = arith.constant 80 : i32
    %barrier3A_24 = arith.constant 0 : index
    tpu.barrier barrier_id(%barrier3A_24)
    %mul3A_25 = arith.constant 10240 : i32
    %mul3A_26 = arith.muli %arg0, %mul3A_25 : i32
    %add3A_27 = arith.addi %mul3A_26, %mul3A_2 : i32
    "tpu.region"() ({
      %run_scoped3A = tpu.sem_alloc : memref<!tpu.dma_semaphore, #tpu.memory_space<semaphore_mem>>
      %dma_start3A = arith.constant 0 : i32
      %dma_start3A_28 = tpu.memref_slice %arg4[%add3A_27, %dma_start3A] : memref<20480x8xf32, #tpu.memory_space<hbm>> -> memref<640x8xf32, #tpu.memory_space<hbm>>
      %dma_start3A_29 = arith.constant 0 : i32
      %dma_start3A_30 = tpu.memref_slice %arg7[%mul3A_2, %dma_start3A_29] : memref<10240x8xf32, #tpu.memory_space<vmem_shared>> -> memref<640x8xf32, #tpu.memory_space<vmem_shared>>
      tpu.enqueue_dma source(%dma_start3A_30 : memref<640x8xf32, #tpu.memory_space<vmem_shared>>) target(%dma_start3A_28 : memref<640x8xf32, #tpu.memory_space<hbm>>) target_semaphore(%run_scoped3A : memref<!tpu.dma_semaphore, #tpu.memory_space<semaphore_mem>>)
      %dma_wait3A = arith.constant 0 : i32
      %dma_wait3A_31 = tpu.memref_slice %arg4[%add3A_27, %dma_wait3A] : memref<20480x8xf32, #tpu.memory_space<hbm>> -> memref<640x8xf32, #tpu.memory_space<hbm>>
      %dma_wait3A_32 = arith.constant 0 : i32
      %dma_wait3A_33 = tpu.memref_slice %arg7[%mul3A_2, %dma_wait3A_32] : memref<10240x8xf32, #tpu.memory_space<vmem_shared>> -> memref<640x8xf32, #tpu.memory_space<vmem_shared>>
      tpu.wait_dma2 semaphore(%run_scoped3A : memref<!tpu.dma_semaphore, #tpu.memory_space<semaphore_mem>>) src(%dma_wait3A_33 : memref<640x8xf32, #tpu.memory_space<vmem_shared>>) dst(%dma_wait3A_31 : memref<640x8xf32, #tpu.memory_space<hbm>>)
      tpu.yield
    }) : () -> ()
    return
  }
}

#map = affine_map<(d0, d1) -> (0, 0, 0)>
#map1 = affine_map<(d0, d1) -> (0, 0)>
module attributes {stable_mosaic.version = 14 : i64} {
  func.func @_scat_body(%arg0: i32, %arg1: i32, %arg2: memref<32x80x128xi32, #tpu.memory_space<hbm>>, %arg3: memref<32x80x128xi32, #tpu.memory_space<hbm>>, %arg4: memref<10240x128xf32, #tpu.memory_space<hbm>>, %arg5: memref<20480x128xf32, #tpu.memory_space<hbm>>, %arg6: memref<80x128xi32, #tpu.memory_space<vmem>>, %arg7: memref<80x128xi32, #tpu.memory_space<vmem>>, %arg8: memref<128x128xf32, #tpu.memory_space<vmem>>, %arg9: memref<10240x128xf32, #tpu.memory_space<vmem_shared>>, %arg10: memref<!tpu.dma_semaphore, #tpu.memory_space<semaphore_mem>>) attributes {dimension_semantics = [#tpu.dimension_semantics<core_parallel>, #tpu.dimension_semantics<subcore_parallel>], iteration_bounds = array<i64: 2, 16>, scalar_prefetch = 0 : i64, scratch_operands = 5 : i64, tpu.core_type = #tpu.core_type<sc_vector_subcore>, window_params = [{transform_indices = #map}, {transform_indices = #map}, {transform_indices = #map1}, {transform_indices = #map1}]} {
    %mul3A = arith.constant 16 : i32
    %mul3A_0 = arith.muli %arg0, %mul3A : i32
    %add3A = arith.addi %mul3A_0, %arg1 : i32
    %mul3A_1 = arith.constant 640 : i32
    %mul3A_2 = arith.muli %arg1, %mul3A_1 : i32
    "tpu.region"() ({
      %run_scoped3A = tpu.sem_alloc : memref<!tpu.dma_semaphore, #tpu.memory_space<semaphore_mem>>
      %dma_start3A = arith.constant 0 : i32
      %dma_start3A_12 = arith.constant 0 : i32
      %dma_start3A_13 = tpu.memref_slice %arg2[%add3A, %dma_start3A, %dma_start3A_12] : memref<32x80x128xi32, #tpu.memory_space<hbm>> -> memref<1x80x128xi32, #tpu.memory_space<hbm>>
      %dma_start3A_14 = tpu.memref_squeeze %dma_start3A_13 : memref<1x80x128xi32, #tpu.memory_space<hbm>> -> memref<80x128xi32, #tpu.memory_space<hbm>>
      %dma_start3A_15 = arith.constant 0 : i32
      %dma_start3A_16 = arith.constant 0 : i32
      %dma_start3A_17 = tpu.memref_slice %arg2[%add3A, %dma_start3A_15, %dma_start3A_16] : memref<32x80x128xi32, #tpu.memory_space<hbm>> -> memref<1x80x128xi32, #tpu.memory_space<hbm>>
      %dma_start3A_18 = tpu.memref_squeeze %dma_start3A_17 : memref<1x80x128xi32, #tpu.memory_space<hbm>> -> memref<80x128xi32, #tpu.memory_space<hbm>>
      tpu.enqueue_dma source(%dma_start3A_18 : memref<80x128xi32, #tpu.memory_space<hbm>>) target(%arg6 : memref<80x128xi32, #tpu.memory_space<vmem>>) target_semaphore(%run_scoped3A : memref<!tpu.dma_semaphore, #tpu.memory_space<semaphore_mem>>)
      %dma_wait3A = arith.constant 0 : i32
      %dma_wait3A_19 = arith.constant 0 : i32
      %dma_wait3A_20 = tpu.memref_slice %arg2[%add3A, %dma_wait3A, %dma_wait3A_19] : memref<32x80x128xi32, #tpu.memory_space<hbm>> -> memref<1x80x128xi32, #tpu.memory_space<hbm>>
      %dma_wait3A_21 = tpu.memref_squeeze %dma_wait3A_20 : memref<1x80x128xi32, #tpu.memory_space<hbm>> -> memref<80x128xi32, #tpu.memory_space<hbm>>
      %dma_wait3A_22 = arith.constant 0 : i32
      %dma_wait3A_23 = arith.constant 0 : i32
      %dma_wait3A_24 = tpu.memref_slice %arg2[%add3A, %dma_wait3A_22, %dma_wait3A_23] : memref<32x80x128xi32, #tpu.memory_space<hbm>> -> memref<1x80x128xi32, #tpu.memory_space<hbm>>
      %dma_wait3A_25 = tpu.memref_squeeze %dma_wait3A_24 : memref<1x80x128xi32, #tpu.memory_space<hbm>> -> memref<80x128xi32, #tpu.memory_space<hbm>>
      tpu.wait_dma2 semaphore(%run_scoped3A : memref<!tpu.dma_semaphore, #tpu.memory_space<semaphore_mem>>) src(%dma_wait3A_25 : memref<80x128xi32, #tpu.memory_space<hbm>>) dst(%arg6 : memref<80x128xi32, #tpu.memory_space<vmem>>)
      tpu.yield
    }) : () -> ()
    "tpu.region"() ({
      %run_scoped3A = tpu.sem_alloc : memref<!tpu.dma_semaphore, #tpu.memory_space<semaphore_mem>>
      %dma_start3A = arith.constant 0 : i32
      %dma_start3A_12 = arith.constant 0 : i32
      %dma_start3A_13 = tpu.memref_slice %arg3[%add3A, %dma_start3A, %dma_start3A_12] : memref<32x80x128xi32, #tpu.memory_space<hbm>> -> memref<1x80x128xi32, #tpu.memory_space<hbm>>
      %dma_start3A_14 = tpu.memref_squeeze %dma_start3A_13 : memref<1x80x128xi32, #tpu.memory_space<hbm>> -> memref<80x128xi32, #tpu.memory_space<hbm>>
      %dma_start3A_15 = arith.constant 0 : i32
      %dma_start3A_16 = arith.constant 0 : i32
      %dma_start3A_17 = tpu.memref_slice %arg3[%add3A, %dma_start3A_15, %dma_start3A_16] : memref<32x80x128xi32, #tpu.memory_space<hbm>> -> memref<1x80x128xi32, #tpu.memory_space<hbm>>
      %dma_start3A_18 = tpu.memref_squeeze %dma_start3A_17 : memref<1x80x128xi32, #tpu.memory_space<hbm>> -> memref<80x128xi32, #tpu.memory_space<hbm>>
      tpu.enqueue_dma source(%dma_start3A_18 : memref<80x128xi32, #tpu.memory_space<hbm>>) target(%arg7 : memref<80x128xi32, #tpu.memory_space<vmem>>) target_semaphore(%run_scoped3A : memref<!tpu.dma_semaphore, #tpu.memory_space<semaphore_mem>>)
      %dma_wait3A = arith.constant 0 : i32
      %dma_wait3A_19 = arith.constant 0 : i32
      %dma_wait3A_20 = tpu.memref_slice %arg3[%add3A, %dma_wait3A, %dma_wait3A_19] : memref<32x80x128xi32, #tpu.memory_space<hbm>> -> memref<1x80x128xi32, #tpu.memory_space<hbm>>
      %dma_wait3A_21 = tpu.memref_squeeze %dma_wait3A_20 : memref<1x80x128xi32, #tpu.memory_space<hbm>> -> memref<80x128xi32, #tpu.memory_space<hbm>>
      %dma_wait3A_22 = arith.constant 0 : i32
      %dma_wait3A_23 = arith.constant 0 : i32
      %dma_wait3A_24 = tpu.memref_slice %arg3[%add3A, %dma_wait3A_22, %dma_wait3A_23] : memref<32x80x128xi32, #tpu.memory_space<hbm>> -> memref<1x80x128xi32, #tpu.memory_space<hbm>>
      %dma_wait3A_25 = tpu.memref_squeeze %dma_wait3A_24 : memref<1x80x128xi32, #tpu.memory_space<hbm>> -> memref<80x128xi32, #tpu.memory_space<hbm>>
      tpu.wait_dma2 semaphore(%run_scoped3A : memref<!tpu.dma_semaphore, #tpu.memory_space<semaphore_mem>>) src(%dma_wait3A_25 : memref<80x128xi32, #tpu.memory_space<hbm>>) dst(%arg7 : memref<80x128xi32, #tpu.memory_space<vmem>>)
      tpu.yield
    }) : () -> ()
    "tpu.region"() ({
      %run_scoped3A = tpu.sem_alloc : memref<!tpu.dma_semaphore, #tpu.memory_space<semaphore_mem>>
      %dma_start3A = arith.constant 0 : i32
      %dma_start3A_12 = tpu.memref_slice %arg9[%mul3A_2, %dma_start3A] : memref<10240x128xf32, #tpu.memory_space<vmem_shared>> -> memref<640x128xf32, #tpu.memory_space<vmem_shared>>
      %dma_start3A_13 = arith.constant 0 : i32
      %dma_start3A_14 = tpu.memref_slice %arg4[%mul3A_2, %dma_start3A_13] : memref<10240x128xf32, #tpu.memory_space<hbm>> -> memref<640x128xf32, #tpu.memory_space<hbm>>
      tpu.enqueue_dma source(%dma_start3A_14 : memref<640x128xf32, #tpu.memory_space<hbm>>) target(%dma_start3A_12 : memref<640x128xf32, #tpu.memory_space<vmem_shared>>) target_semaphore(%run_scoped3A : memref<!tpu.dma_semaphore, #tpu.memory_space<semaphore_mem>>)
      %dma_wait3A = arith.constant 0 : i32
      %dma_wait3A_15 = tpu.memref_slice %arg9[%mul3A_2, %dma_wait3A] : memref<10240x128xf32, #tpu.memory_space<vmem_shared>> -> memref<640x128xf32, #tpu.memory_space<vmem_shared>>
      %dma_wait3A_16 = arith.constant 0 : i32
      %dma_wait3A_17 = tpu.memref_slice %arg4[%mul3A_2, %dma_wait3A_16] : memref<10240x128xf32, #tpu.memory_space<hbm>> -> memref<640x128xf32, #tpu.memory_space<hbm>>
      tpu.wait_dma2 semaphore(%run_scoped3A : memref<!tpu.dma_semaphore, #tpu.memory_space<semaphore_mem>>) src(%dma_wait3A_17 : memref<640x128xf32, #tpu.memory_space<hbm>>) dst(%dma_wait3A_15 : memref<640x128xf32, #tpu.memory_space<vmem_shared>>)
      tpu.yield
    }) : () -> ()
    %barrier3A = arith.constant 0 : index
    tpu.barrier barrier_id(%barrier3A)
    %scan3A = arith.constant 0 : i32
    %scan3A_3 = arith.constant 0 : i32
    %scan3A_4 = arith.constant 80 : i32
    %scan3A_5 = arith.addi %scan3A_3, %scan3A_4 : i32
    %scan3A_6 = arith.constant 1 : i32
    scf.for %scan3A_12 = %scan3A_3 to %scan3A_5 step %scan3A_6  : i32 {
      %dma_start3A = arith.constant 0 : i32
      %dma_start3A_13 = tpu.memref_slice %arg6[%scan3A_12, %dma_start3A] : memref<80x128xi32, #tpu.memory_space<vmem>> -> memref<1x128xi32, #tpu.memory_space<vmem>>
      %dma_start3A_14 = tpu.memref_squeeze %dma_start3A_13 : memref<1x128xi32, #tpu.memory_space<vmem>> -> memref<128xi32, #tpu.memory_space<vmem>>
      %dma_start3A_15 = arith.constant 0 : i32
      %dma_start3A_16 = arith.constant 0 : i32
      %dma_start3A_17 = tpu.memref_slice %arg4[%dma_start3A_15, %dma_start3A_16] : memref<10240x128xf32, #tpu.memory_space<hbm>> -> memref<10240x128xf32, #tpu.memory_space<hbm>>
      tpu.enqueue_indirect_dma source(%dma_start3A_17 : memref<10240x128xf32, #tpu.memory_space<hbm>>) target(%arg8 : memref<128x128xf32, #tpu.memory_space<vmem>>) offsets(%dma_start3A_14 : memref<128xi32, #tpu.memory_space<vmem>>) semaphore(%arg10 : memref<!tpu.dma_semaphore, #tpu.memory_space<semaphore_mem>>)
      %dma_wait3A = arith.constant 0 : i32
      %dma_wait3A_18 = tpu.memref_slice %arg6[%scan3A_12, %dma_wait3A] : memref<80x128xi32, #tpu.memory_space<vmem>> -> memref<1x128xi32, #tpu.memory_space<vmem>>
      %dma_wait3A_19 = tpu.memref_squeeze %dma_wait3A_18 : memref<1x128xi32, #tpu.memory_space<vmem>> -> memref<128xi32, #tpu.memory_space<vmem>>
      %dma_wait3A_20 = arith.constant 0 : i32
      %dma_wait3A_21 = arith.constant 0 : i32
      %dma_wait3A_22 = tpu.memref_slice %arg4[%dma_wait3A_20, %dma_wait3A_21] : memref<10240x128xf32, #tpu.memory_space<hbm>> -> memref<10240x128xf32, #tpu.memory_space<hbm>>
      tpu.wait_indirect_dma semaphore(%arg10 : memref<!tpu.dma_semaphore, #tpu.memory_space<semaphore_mem>>) src(%dma_wait3A_22 : memref<10240x128xf32, #tpu.memory_space<hbm>>) dst(%arg8 : memref<128x128xf32, #tpu.memory_space<vmem>>)
      "tpu.region"() ({
        %run_scoped3A = tpu.sem_alloc : memref<!tpu.dma_semaphore, #tpu.memory_space<semaphore_mem>>
        %dma_start3A_23 = arith.constant 0 : i32
        %dma_start3A_24 = tpu.memref_slice %arg7[%scan3A_12, %dma_start3A_23] : memref<80x128xi32, #tpu.memory_space<vmem>> -> memref<1x128xi32, #tpu.memory_space<vmem>>
        %dma_start3A_25 = tpu.memref_squeeze %dma_start3A_24 : memref<1x128xi32, #tpu.memory_space<vmem>> -> memref<128xi32, #tpu.memory_space<vmem>>
        %dma_start3A_26 = arith.constant 0 : i32
        %dma_start3A_27 = arith.constant 0 : i32
        %dma_start3A_28 = tpu.memref_slice %arg9[%dma_start3A_26, %dma_start3A_27] : memref<10240x128xf32, #tpu.memory_space<vmem_shared>> -> memref<10240x128xf32, #tpu.memory_space<vmem_shared>>
        tpu.enqueue_indirect_dma source(%arg8 : memref<128x128xf32, #tpu.memory_space<vmem>>) target(%dma_start3A_28 : memref<10240x128xf32, #tpu.memory_space<vmem_shared>>) offsets(%dma_start3A_25 : memref<128xi32, #tpu.memory_space<vmem>>) semaphore(%run_scoped3A : memref<!tpu.dma_semaphore, #tpu.memory_space<semaphore_mem>>) {add = true}
        %dma_wait3A_29 = arith.constant 0 : i32
        %dma_wait3A_30 = tpu.memref_slice %arg7[%scan3A_12, %dma_wait3A_29] : memref<80x128xi32, #tpu.memory_space<vmem>> -> memref<1x128xi32, #tpu.memory_space<vmem>>
        %dma_wait3A_31 = tpu.memref_squeeze %dma_wait3A_30 : memref<1x128xi32, #tpu.memory_space<vmem>> -> memref<128xi32, #tpu.memory_space<vmem>>
        %dma_wait3A_32 = arith.constant 0 : i32
        %dma_wait3A_33 = arith.constant 0 : i32
        %dma_wait3A_34 = tpu.memref_slice %arg9[%dma_wait3A_32, %dma_wait3A_33] : memref<10240x128xf32, #tpu.memory_space<vmem_shared>> -> memref<10240x128xf32, #tpu.memory_space<vmem_shared>>
        tpu.wait_indirect_dma semaphore(%run_scoped3A : memref<!tpu.dma_semaphore, #tpu.memory_space<semaphore_mem>>) src(%arg8 : memref<128x128xf32, #tpu.memory_space<vmem>>) dst(%dma_wait3A_34 : memref<10240x128xf32, #tpu.memory_space<vmem_shared>>)
        tpu.yield
      }) : () -> ()
    }
    %scan3A_7 = arith.constant 80 : i32
    %barrier3A_8 = arith.constant 0 : index
    tpu.barrier barrier_id(%barrier3A_8)
    %mul3A_9 = arith.constant 10240 : i32
    %mul3A_10 = arith.muli %arg0, %mul3A_9 : i32
    %add3A_11 = arith.addi %mul3A_10, %mul3A_2 : i32
    "tpu.region"() ({
      %run_scoped3A = tpu.sem_alloc : memref<!tpu.dma_semaphore, #tpu.memory_space<semaphore_mem>>
      %dma_start3A = arith.constant 0 : i32
      %dma_start3A_12 = tpu.memref_slice %arg5[%add3A_11, %dma_start3A] : memref<20480x128xf32, #tpu.memory_space<hbm>> -> memref<640x128xf32, #tpu.memory_space<hbm>>
      %dma_start3A_13 = arith.constant 0 : i32
      %dma_start3A_14 = tpu.memref_slice %arg9[%mul3A_2, %dma_start3A_13] : memref<10240x128xf32, #tpu.memory_space<vmem_shared>> -> memref<640x128xf32, #tpu.memory_space<vmem_shared>>
      tpu.enqueue_dma source(%dma_start3A_14 : memref<640x128xf32, #tpu.memory_space<vmem_shared>>) target(%dma_start3A_12 : memref<640x128xf32, #tpu.memory_space<hbm>>) target_semaphore(%run_scoped3A : memref<!tpu.dma_semaphore, #tpu.memory_space<semaphore_mem>>)
      %dma_wait3A = arith.constant 0 : i32
      %dma_wait3A_15 = tpu.memref_slice %arg5[%add3A_11, %dma_wait3A] : memref<20480x128xf32, #tpu.memory_space<hbm>> -> memref<640x128xf32, #tpu.memory_space<hbm>>
      %dma_wait3A_16 = arith.constant 0 : i32
      %dma_wait3A_17 = tpu.memref_slice %arg9[%mul3A_2, %dma_wait3A_16] : memref<10240x128xf32, #tpu.memory_space<vmem_shared>> -> memref<640x128xf32, #tpu.memory_space<vmem_shared>>
      tpu.wait_dma2 semaphore(%run_scoped3A : memref<!tpu.dma_semaphore, #tpu.memory_space<semaphore_mem>>) src(%dma_wait3A_17 : memref<640x128xf32, #tpu.memory_space<vmem_shared>>) dst(%dma_wait3A_15 : memref<640x128xf32, #tpu.memory_space<hbm>>)
      tpu.yield
    }) : () -> ()
    return
  }
}

module attributes {stable_mosaic.version = 14 : i64} {
  func.func @_mm_body(%arg0: i32, %arg1: memref<1024x128xf32, #tpu.memory_space<vmem>>, %arg2: memref<128x128xf32, #tpu.memory_space<vmem>>, %arg3: memref<1x128xf32, #tpu.memory_space<vmem>>, %arg4: memref<128x128xf32, #tpu.memory_space<vmem>>, %arg5: memref<1x128xf32, #tpu.memory_space<vmem>>, %arg6: memref<128x128xf32, #tpu.memory_space<vmem>>, %arg7: memref<1024x128xf32, #tpu.memory_space<vmem>>, %arg8: memref<1024x128xf32, #tpu.memory_space<vmem>>, %arg9: memref<1024x128xf32, #tpu.memory_space<vmem>>) attributes {dimension_semantics = [#tpu.dimension_semantics<arbitrary>], iteration_bounds = array<i64: 10>, scalar_prefetch = 0 : i64, scratch_operands = 0 : i64, tpu.core_type = #tpu.core_type<tc>, window_params = [{transform_indices = @transform_0, window_bounds = array<i64: 1024, 128>}, {pipeline_mode = #tpu.pipeline_mode<synchronous>, transform_indices = @transform_1, window_bounds = array<i64: 128, 128>}, {pipeline_mode = #tpu.pipeline_mode<synchronous>, transform_indices = @transform_2, window_bounds = array<i64: 1, 128>}, {pipeline_mode = #tpu.pipeline_mode<synchronous>, transform_indices = @transform_3, window_bounds = array<i64: 128, 128>}, {pipeline_mode = #tpu.pipeline_mode<synchronous>, transform_indices = @transform_4, window_bounds = array<i64: 1, 128>}, {pipeline_mode = #tpu.pipeline_mode<synchronous>, transform_indices = @transform_5, window_bounds = array<i64: 128, 128>}, {transform_indices = @transform_6, window_bounds = array<i64: 1024, 128>}, {transform_indices = @transform_7, window_bounds = array<i64: 1024, 128>}, {transform_indices = @transform_8, window_bounds = array<i64: 1024, 128>}]} {
    %get3A = arith.constant 0 : index
    %get3A_0 = arith.constant 0 : index
    %get3A_1 = vector.load %arg1[%get3A, %get3A_0] : memref<1024x128xf32, #tpu.memory_space<vmem>>, vector<1024x128xf32>
    %get3A_2 = arith.constant 0 : index
    %get3A_3 = arith.constant 0 : index
    %get3A_4 = vector.load %arg2[%get3A_2, %get3A_3] : memref<128x128xf32, #tpu.memory_space<vmem>>, vector<128x128xf32>
    %dot_general3A = arith.constant dense<0.000000e+00> : vector<1024x128xf32>
    %dot_general3A_5 = tpu.matmul %get3A_1, %get3A_4, %dot_general3A {dimension_numbers = #tpu.dot_dimension_numbers<[1], [0], [0], [1], [0, 0, 1, 1], [], []>, transpose_lhs_hint = false} : vector<1024x128xf32>, vector<128x128xf32>, vector<1024x128xf32> -> vector<1024x128xf32>
    %get3A_6 = arith.constant 0 : index
    %get3A_7 = arith.constant 0 : index
    %get3A_8 = vector.load %arg3[%get3A_6, %get3A_7] : memref<1x128xf32, #tpu.memory_space<vmem>>, vector<1x128xf32>
    %add3A = vector.broadcast %get3A_8 : vector<1x128xf32> to vector<1024x128xf32>
    %add3A_9 = arith.addf %dot_general3A_5, %add3A : vector<1024x128xf32>
    %swap3A = arith.constant 0 : index
    %swap3A_10 = arith.constant 0 : index
    %swap3A_11 = vector.load %arg7[%swap3A, %swap3A_10] : memref<1024x128xf32, #tpu.memory_space<vmem>>, vector<1024x128xf32>
    tpu.vector_store %arg7[%swap3A, %swap3A_10], %add3A_9 {strides = array<i32>} : memref<1024x128xf32, #tpu.memory_space<vmem>>, vector<1024x128xf32>,
    %get3A_12 = arith.constant 0 : index
    %get3A_13 = arith.constant 0 : index
    %get3A_14 = vector.load %arg4[%get3A_12, %get3A_13] : memref<128x128xf32, #tpu.memory_space<vmem>>, vector<128x128xf32>
    %dot_general3A_15 = arith.constant dense<0.000000e+00> : vector<1024x128xf32>
    %dot_general3A_16 = tpu.matmul %add3A_9, %get3A_14, %dot_general3A_15 {dimension_numbers = #tpu.dot_dimension_numbers<[1], [0], [0], [1], [0, 0, 1, 1], [], []>, transpose_lhs_hint = false} : vector<1024x128xf32>, vector<128x128xf32>, vector<1024x128xf32> -> vector<1024x128xf32>
    %get3A_17 = arith.constant 0 : index
    %get3A_18 = arith.constant 0 : index
    %get3A_19 = vector.load %arg5[%get3A_17, %get3A_18] : memref<1x128xf32, #tpu.memory_space<vmem>>, vector<1x128xf32>
    %add3A_20 = vector.broadcast %get3A_19 : vector<1x128xf32> to vector<1024x128xf32>
    %add3A_21 = arith.addf %dot_general3A_16, %add3A_20 : vector<1024x128xf32>
    %mul3A = arith.mulf %add3A_21, %add3A_21 : vector<1024x128xf32>
    %reduce_sum3A = arith.constant dense<0.000000e+00> : vector<1024xf32>
    %reduce_sum3A_22 = vector.multi_reduction <add>, %mul3A, %reduce_sum3A [1] : vector<1024x128xf32> to vector<1024xf32>
    %broadcast_in_dim3A = vector.shape_cast %reduce_sum3A_22 : vector<1024xf32> to vector<1024x1xf32>
    %sqrt3A = math.sqrt %broadcast_in_dim3A : vector<1024x1xf32>
    %max3A = arith.constant 9.99999996E-13 : f32
    %max3A_23 = vector.broadcast %max3A : f32 to vector<1024x1xf32>
    %max3A_24 = arith.maximumf %sqrt3A, %max3A_23 : vector<1024x1xf32>
    %div3A = vector.broadcast %max3A_24 : vector<1024x1xf32> to vector<1024x128xf32>
    %div3A_25 = arith.divf %add3A_21, %div3A : vector<1024x128xf32>
    %mul3A_26 = arith.constant 8.000000e-01 : f32
    %mul3A_27 = vector.broadcast %mul3A_26 : f32 to vector<1024x128xf32>
    %mul3A_28 = arith.mulf %div3A_25, %mul3A_27 : vector<1024x128xf32>
    %swap3A_29 = arith.constant 0 : index
    %swap3A_30 = arith.constant 0 : index
    %swap3A_31 = vector.load %arg8[%swap3A_29, %swap3A_30] : memref<1024x128xf32, #tpu.memory_space<vmem>>, vector<1024x128xf32>
    tpu.vector_store %arg8[%swap3A_29, %swap3A_30], %mul3A_28 {strides = array<i32>} : memref<1024x128xf32, #tpu.memory_space<vmem>>, vector<1024x128xf32>,
    %get3A_32 = arith.constant 0 : index
    %get3A_33 = arith.constant 0 : index
    %get3A_34 = vector.load %arg6[%get3A_32, %get3A_33] : memref<128x128xf32, #tpu.memory_space<vmem>>, vector<128x128xf32>
    %dot_general3A_35 = arith.constant dense<0.000000e+00> : vector<1024x128xf32>
    %dot_general3A_36 = tpu.matmul %get3A_1, %get3A_34, %dot_general3A_35 {dimension_numbers = #tpu.dot_dimension_numbers<[1], [0], [0], [1], [0, 0, 1, 1], [], []>, transpose_lhs_hint = false} : vector<1024x128xf32>, vector<128x128xf32>, vector<1024x128xf32> -> vector<1024x128xf32>
    %mul3A_37 = arith.mulf %dot_general3A_36, %dot_general3A_36 : vector<1024x128xf32>
    %reduce_sum3A_38 = arith.constant dense<0.000000e+00> : vector<1024xf32>
    %reduce_sum3A_39 = vector.multi_reduction <add>, %mul3A_37, %reduce_sum3A_38 [1] : vector<1024x128xf32> to vector<1024xf32>
    %broadcast_in_dim3A_40 = vector.shape_cast %reduce_sum3A_39 : vector<1024xf32> to vector<1024x1xf32>
    %sqrt3A_41 = math.sqrt %broadcast_in_dim3A_40 : vector<1024x1xf32>
    %max3A_42 = arith.constant 9.99999996E-13 : f32
    %max3A_43 = vector.broadcast %max3A_42 : f32 to vector<1024x1xf32>
    %max3A_44 = arith.maximumf %sqrt3A_41, %max3A_43 : vector<1024x1xf32>
    %div3A_45 = vector.broadcast %max3A_44 : vector<1024x1xf32> to vector<1024x128xf32>
    %div3A_46 = arith.divf %dot_general3A_36, %div3A_45 : vector<1024x128xf32>
    %mul3A_47 = arith.constant 8.000000e-01 : f32
    %mul3A_48 = vector.broadcast %mul3A_47 : f32 to vector<1024x128xf32>
    %mul3A_49 = arith.mulf %div3A_46, %mul3A_48 : vector<1024x128xf32>
    %swap3A_50 = arith.constant 0 : index
    %swap3A_51 = arith.constant 0 : index
    %swap3A_52 = vector.load %arg9[%swap3A_50, %swap3A_51] : memref<1024x128xf32, #tpu.memory_space<vmem>>, vector<1024x128xf32>
    tpu.vector_store %arg9[%swap3A_50, %swap3A_51], %mul3A_49 {strides = array<i32>} : memref<1024x128xf32, #tpu.memory_space<vmem>>, vector<1024x128xf32>,
    return
  }
  func.func @transform_0(%arg0: i32) -> (i32, i32) {
    %c0_i32 = arith.constant 0 : i32
    %c0_i32_0 = arith.constant 0 : i32
    return %arg0, %c0_i32 : i32, i32
  }
  func.func @transform_1(%arg0: i32) -> (i32, i32) {
    %c0_i32 = arith.constant 0 : i32
    %c0_i32_0 = arith.constant 0 : i32
    %c0_i32_1 = arith.constant 0 : i32
    return %c0_i32, %c0_i32_0 : i32, i32
  }
  func.func @transform_2(%arg0: i32) -> (i32, i32) {
    %c0_i32 = arith.constant 0 : i32
    %c0_i32_0 = arith.constant 0 : i32
    %c0_i32_1 = arith.constant 0 : i32
    return %c0_i32, %c0_i32_0 : i32, i32
  }
  func.func @transform_3(%arg0: i32) -> (i32, i32) {
    %c0_i32 = arith.constant 0 : i32
    %c0_i32_0 = arith.constant 0 : i32
    %c0_i32_1 = arith.constant 0 : i32
    return %c0_i32, %c0_i32_0 : i32, i32
  }
  func.func @transform_4(%arg0: i32) -> (i32, i32) {
    %c0_i32 = arith.constant 0 : i32
    %c0_i32_0 = arith.constant 0 : i32
    %c0_i32_1 = arith.constant 0 : i32
    return %c0_i32, %c0_i32_0 : i32, i32
  }
  func.func @transform_5(%arg0: i32) -> (i32, i32) {
    %c0_i32 = arith.constant 0 : i32
    %c0_i32_0 = arith.constant 0 : i32
    %c0_i32_1 = arith.constant 0 : i32
    return %c0_i32, %c0_i32_0 : i32, i32
  }
  func.func @transform_6(%arg0: i32) -> (i32, i32) {
    %c0_i32 = arith.constant 0 : i32
    %c0_i32_0 = arith.constant 0 : i32
    return %arg0, %c0_i32 : i32, i32
  }
  func.func @transform_7(%arg0: i32) -> (i32, i32) {
    %c0_i32 = arith.constant 0 : i32
    %c0_i32_0 = arith.constant 0 : i32
    return %arg0, %c0_i32 : i32, i32
  }
  func.func @transform_8(%arg0: i32) -> (i32, i32) {
    %c0_i32 = arith.constant 0 : i32
    %c0_i32_0 = arith.constant 0 : i32
    return %arg0, %c0_i32 : i32, i32
  }
}

module attributes {stable_mosaic.version = 14 : i64} {
  func.func @_hs_body(%arg0: i32, %arg1: memref<1024x128xf32, #tpu.memory_space<vmem>>, %arg2: memref<1024x8xf32, #tpu.memory_space<vmem>>, %arg3: memref<1024x8xf32, #tpu.memory_space<vmem>>, %arg4: memref<1024x128xf32, #tpu.memory_space<vmem>>, %arg5: memref<1024x8xf32, #tpu.memory_space<vmem>>) attributes {dimension_semantics = [#tpu.dimension_semantics<arbitrary>], iteration_bounds = array<i64: 10>, scalar_prefetch = 0 : i64, scratch_operands = 0 : i64, tpu.core_type = #tpu.core_type<tc>, window_params = [{transform_indices = @transform_0, window_bounds = array<i64: 1024, 128>}, {transform_indices = @transform_1, window_bounds = array<i64: 1024, 8>}, {transform_indices = @transform_2, window_bounds = array<i64: 1024, 8>}, {transform_indices = @transform_3, window_bounds = array<i64: 1024, 128>}, {transform_indices = @transform_4, window_bounds = array<i64: 1024, 8>}]} {
    %get3A = arith.constant 0 : index
    %get3A_0 = arith.constant 0 : index
    %get3A_1 = vector.load %arg2[%get3A, %get3A_0] : memref<1024x8xf32, #tpu.memory_space<vmem>>, vector<1024x8xf32>
    %get3A_2 = arith.constant 0 : index
    %get3A_3 = arith.constant 0 : index
    %get3A_4 = vector.load %arg3[%get3A_2, %get3A_3] : memref<1024x8xf32, #tpu.memory_space<vmem>>, vector<1024x8xf32>
    %add3A = arith.addf %get3A_1, %get3A_4 : vector<1024x8xf32>
    %sub3A = arith.constant 1.000000e+00 : f32
    %sub3A_5 = vector.broadcast %sub3A : f32 to vector<1024x8xf32>
    %sub3A_6 = arith.subf %add3A, %sub3A_5 : vector<1024x8xf32>
    %sqrt3A = math.sqrt %sub3A_6 : vector<1024x8xf32>
    %div3A = arith.constant 1.000000e+00 : f32
    %div3A_7 = vector.broadcast %div3A : f32 to vector<1024x8xf32>
    %div3A_8 = arith.divf %div3A_7, %sqrt3A : vector<1024x8xf32>
    %swap3A = arith.constant 0 : index
    %swap3A_9 = arith.constant 0 : index
    %swap3A_10 = vector.load %arg5[%swap3A, %swap3A_9] : memref<1024x8xf32, #tpu.memory_space<vmem>>, vector<1024x8xf32>
    tpu.vector_store %arg5[%swap3A, %swap3A_9], %div3A_8 {strides = array<i32>} : memref<1024x8xf32, #tpu.memory_space<vmem>>, vector<1024x8xf32>,
    %mul3A = arith.constant 1024 : i32
    %mul3A_11 = arith.muli %arg0, %mul3A : i32
    %iota3A = tpu.iota {dimensions = array<i32: 0>} : vector<1024x1xi32>
    %add3A_12 = vector.broadcast %mul3A_11 : i32 to vector<1024x1xi32>
    %add3A_13 = arith.addi %add3A_12, %iota3A : vector<1024x1xi32>
    %lt3A = arith.constant 10000 : i32
    %lt3A_14 = vector.broadcast %lt3A : i32 to vector<1024x1xi32>
    %lt3A_15 = arith.cmpi slt, %add3A_13, %lt3A_14 : vector<1024x1xi32>
    %get3A_16 = arith.constant 0 : index
    %get3A_17 = arith.constant 0 : index
    %get3A_18 = vector.load %arg1[%get3A_16, %get3A_17] : memref<1024x128xf32, #tpu.memory_space<vmem>>, vector<1024x128xf32>
    %slice3A = vector.extract_strided_slice %div3A_8 {offsets = [0, 0], sizes = [1024, 1], strides = [1, 1]} : vector<1024x8xf32> to vector<1024x1xf32>
    %mul3A_19 = vector.broadcast %slice3A : vector<1024x1xf32> to vector<1024x128xf32>
    %mul3A_20 = arith.mulf %get3A_18, %mul3A_19 : vector<1024x128xf32>
    %jit3A = arith.constant 0.000000e+00 : f32
    %broadcast_in_dim3A = vector.shape_cast %lt3A_15 : vector<1024x1xi1> to vector<1024x1xi1>
    %broadcast_in_dim3A_21 = vector.broadcast %broadcast_in_dim3A : vector<1024x1xi1> to vector<1024x128xi1>
    %broadcast_in_dim3A_22 = vector.broadcast %jit3A : f32 to vector<1024x128xf32>
    %select_n3A = arith.select %broadcast_in_dim3A_21, %mul3A_20, %broadcast_in_dim3A_22 : vector<1024x128xi1>, vector<1024x128xf32>
    %swap3A_23 = arith.constant 0 : index
    %swap3A_24 = arith.constant 0 : index
    %swap3A_25 = vector.load %arg4[%swap3A_23, %swap3A_24] : memref<1024x128xf32, #tpu.memory_space<vmem>>, vector<1024x128xf32>
    tpu.vector_store %arg4[%swap3A_23, %swap3A_24], %select_n3A {strides = array<i32>} : memref<1024x128xf32, #tpu.memory_space<vmem>>, vector<1024x128xf32>,
    return
  }
  func.func @transform_0(%arg0: i32) -> (i32, i32) {
    %c0_i32 = arith.constant 0 : i32
    %c0_i32_0 = arith.constant 0 : i32
    return %arg0, %c0_i32 : i32, i32
  }
  func.func @transform_1(%arg0: i32) -> (i32, i32) {
    %c0_i32 = arith.constant 0 : i32
    %c0_i32_0 = arith.constant 0 : i32
    return %arg0, %c0_i32 : i32, i32
  }
  func.func @transform_2(%arg0: i32) -> (i32, i32) {
    %add3A = arith.constant 10 : i32
    %add3A_0 = arith.addi %arg0, %add3A : i32
    %c0_i32 = arith.constant 0 : i32
    %c0_i32_1 = arith.constant 0 : i32
    return %add3A_0, %c0_i32 : i32, i32
  }
  func.func @transform_3(%arg0: i32) -> (i32, i32) {
    %c0_i32 = arith.constant 0 : i32
    %c0_i32_0 = arith.constant 0 : i32
    return %arg0, %c0_i32 : i32, i32
  }
  func.func @transform_4(%arg0: i32) -> (i32, i32) {
    %c0_i32 = arith.constant 0 : i32
    %c0_i32_0 = arith.constant 0 : i32
    return %arg0, %c0_i32 : i32, i32
  }
}

module attributes {stable_mosaic.version = 14 : i64} {
  func.func @_comb_body(%arg0: i32, %arg1: memref<1024x128xf32, #tpu.memory_space<vmem>>, %arg2: memref<1024x128xf32, #tpu.memory_space<vmem>>, %arg3: memref<1024x8xf32, #tpu.memory_space<vmem>>, %arg4: memref<1024x128xf32, #tpu.memory_space<vmem>>, %arg5: memref<1024x128xf32, #tpu.memory_space<vmem>>, %arg6: memref<1024x128xf32, #tpu.memory_space<vmem>>, %arg7: memref<1024x384xf32, #tpu.memory_space<vmem>>) attributes {dimension_semantics = [#tpu.dimension_semantics<arbitrary>], iteration_bounds = array<i64: 10>, scalar_prefetch = 0 : i64, scratch_operands = 0 : i64, tpu.core_type = #tpu.core_type<tc>, window_params = [{transform_indices = @transform_0, window_bounds = array<i64: 1024, 128>}, {transform_indices = @transform_1, window_bounds = array<i64: 1024, 128>}, {transform_indices = @transform_2, window_bounds = array<i64: 1024, 8>}, {transform_indices = @transform_3, window_bounds = array<i64: 1024, 128>}, {transform_indices = @transform_4, window_bounds = array<i64: 1024, 128>}, {transform_indices = @transform_5, window_bounds = array<i64: 1024, 128>}, {transform_indices = @transform_6, window_bounds = array<i64: 1024, 384>}]} {
    %get3A = arith.constant 0 : index
    %get3A_0 = arith.constant 0 : index
    %get3A_1 = vector.load %arg3[%get3A, %get3A_0] : memref<1024x8xf32, #tpu.memory_space<vmem>>, vector<1024x8xf32>
    %slice3A = vector.extract_strided_slice %get3A_1 {offsets = [0, 0], sizes = [1024, 1], strides = [1, 1]} : vector<1024x8xf32> to vector<1024x1xf32>
    %get3A_2 = arith.constant 0 : index
    %get3A_3 = arith.constant 0 : index
    %get3A_4 = vector.load %arg5[%get3A_2, %get3A_3] : memref<1024x128xf32, #tpu.memory_space<vmem>>, vector<1024x128xf32>
    %get3A_5 = arith.constant 0 : index
    %get3A_6 = arith.constant 0 : index
    %get3A_7 = vector.load %arg6[%get3A_5, %get3A_6] : memref<1024x128xf32, #tpu.memory_space<vmem>>, vector<1024x128xf32>
    %add3A = arith.addf %get3A_4, %get3A_7 : vector<1024x128xf32>
    %get3A_8 = arith.constant 0 : index
    %get3A_9 = arith.constant 0 : index
    %get3A_10 = vector.load %arg2[%get3A_8, %get3A_9] : memref<1024x128xf32, #tpu.memory_space<vmem>>, vector<1024x128xf32>
    %sub3A = arith.subf %add3A, %get3A_10 : vector<1024x128xf32>
    %mul3A = vector.broadcast %slice3A : vector<1024x1xf32> to vector<1024x128xf32>
    %mul3A_11 = arith.mulf %mul3A, %sub3A : vector<1024x128xf32>
    %get3A_12 = arith.constant 0 : index
    %get3A_13 = arith.constant 0 : index
    %get3A_14 = vector.load %arg1[%get3A_12, %get3A_13] : memref<1024x128xf32, #tpu.memory_space<vmem>>, vector<1024x128xf32>
    %swap3A = arith.constant 0 : index
    %swap3A_15 = arith.constant 0 : index
    %swap3A_16 = vector.load %arg7[%swap3A, %swap3A_15] : memref<1024x384xf32, #tpu.memory_space<vmem>>, vector<1024x128xf32>
    tpu.vector_store %arg7[%swap3A, %swap3A_15], %get3A_14 {strides = array<i32>} : memref<1024x384xf32, #tpu.memory_space<vmem>>, vector<1024x128xf32>,
    %swap3A_17 = arith.constant 0 : index
    %swap3A_18 = arith.constant 128 : index
    %swap3A_19 = vector.load %arg7[%swap3A_17, %swap3A_18] : memref<1024x384xf32, #tpu.memory_space<vmem>>, vector<1024x128xf32>
    tpu.vector_store %arg7[%swap3A_17, %swap3A_18], %mul3A_11 {strides = array<i32>} : memref<1024x384xf32, #tpu.memory_space<vmem>>, vector<1024x128xf32>,
    %get3A_20 = arith.constant 0 : index
    %get3A_21 = arith.constant 0 : index
    %get3A_22 = vector.load %arg4[%get3A_20, %get3A_21] : memref<1024x128xf32, #tpu.memory_space<vmem>>, vector<1024x128xf32>
    %swap3A_23 = arith.constant 0 : index
    %swap3A_24 = arith.constant 256 : index
    %swap3A_25 = vector.load %arg7[%swap3A_23, %swap3A_24] : memref<1024x384xf32, #tpu.memory_space<vmem>>, vector<1024x128xf32>
    tpu.vector_store %arg7[%swap3A_23, %swap3A_24], %get3A_22 {strides = array<i32>} : memref<1024x384xf32, #tpu.memory_space<vmem>>, vector<1024x128xf32>,
    return
  }
  func.func @transform_0(%arg0: i32) -> (i32, i32) {
    %c0_i32 = arith.constant 0 : i32
    %c0_i32_0 = arith.constant 0 : i32
    return %arg0, %c0_i32 : i32, i32
  }
  func.func @transform_1(%arg0: i32) -> (i32, i32) {
    %c0_i32 = arith.constant 0 : i32
    %c0_i32_0 = arith.constant 0 : i32
    return %arg0, %c0_i32 : i32, i32
  }
  func.func @transform_2(%arg0: i32) -> (i32, i32) {
    %c0_i32 = arith.constant 0 : i32
    %c0_i32_0 = arith.constant 0 : i32
    return %arg0, %c0_i32 : i32, i32
  }
  func.func @transform_3(%arg0: i32) -> (i32, i32) {
    %c0_i32 = arith.constant 0 : i32
    %c0_i32_0 = arith.constant 0 : i32
    return %arg0, %c0_i32 : i32, i32
  }
  func.func @transform_4(%arg0: i32) -> (i32, i32) {
    %c0_i32 = arith.constant 0 : i32
    %c0_i32_0 = arith.constant 0 : i32
    return %arg0, %c0_i32 : i32, i32
  }
  func.func @transform_5(%arg0: i32) -> (i32, i32) {
    %add3A = arith.constant 10 : i32
    %add3A_0 = arith.addi %arg0, %add3A : i32
    %c0_i32 = arith.constant 0 : i32
    %c0_i32_1 = arith.constant 0 : i32
    return %add3A_0, %c0_i32 : i32, i32
  }
  func.func @transform_6(%arg0: i32) -> (i32, i32) {
    %c0_i32 = arith.constant 0 : i32
    %c0_i32_0 = arith.constant 0 : i32
    return %arg0, %c0_i32 : i32, i32
  }
}

</mosaic_0001>

<sc_bundles>
// kernel: kernel.10.cloned.1.call-start
scs
__scs_entry_jumppad:
0x0: {  	(pc) =	sbr.rel $0x88, $3  }
0x1: {  	(tag) =	ssettag $0x0;
	lr =	simm.s32 $0x1  }
0x2: {  	[smem:$0x3F9A] =	sst lr;
	_ =	strace $0xD0000000  }
0x3: {  	_ = 	snop  }
0x4: {  	_ = 	snop  }
0x5: {  	_ = 	snop  }
0x6: {  	_ = 	snop  }
0x7: {  	_ = 	snop  }
__scs_overlays_trampoline_lowered:
0x8: {  	[smem:$0x3FA9] =	sst s0  }
0x9: {  	[smem:$0x3FAA] =	sst s1  }
0xa: {  	[smem:$0x3FAB] =	sst s2  }
0xb: {  	[smem:$0x3FAC] =	sst s3  }
0xc: {  	[smem:$0x3FAD] =	sst s4  }
0xd: {  	[smem:$0x3FAE] =	sst s5  }
0xe: {  	[smem:$0x3FAF] =	sst s6  }
0xf: {  	[smem:$0x3FB0] =	sst s7  }
0x10: {  	[smem:$0x3FB1] =	sst s8  }
0x11: {  	[smem:$0x3FB2] =	sst s9;
	s0 =	simm.s32 @!p0 $0x0  }
0x12: {  	s1 =	sld [smem:$0x3F98];
	s0 =	simm.s32 @p0 $0x1  }
0x13: {  	[smem:$0x3FB3] =	sst s0;
	s0 =	simm.s32 @!p1 $0x0  }
0x14: {  	s2 =	sld [smem:$0x3F97];
	s0 =	simm.s32 @p1 $0x1  }
0x15: {  	[smem:$0x3FB4] =	sst s0;
	s0 =	simm.s32 @!p2 $0x0  }
0x16: {  	s3 =	sld [smem:$0x3FDB];
	s0 =	simm.s32 @p2 $0x1  }
0x17: {  	s4 =	simm.s32 $0x1BF5;
	[smem:$0x3FB6] =	sst s0  }
0x18: {  	s0 =	sld [smem:$0x3F99];
	_ =	swait.ge [sflag:s4], $0x0  }
0x19: {  	s7 =	sld [smem:$0x3F9A]  }
0x1a: {  	s8 =	sadd.s32 $0xFFFFE003, lr  }
0x1b: {  	s9 =	sadd.s32 $0xFFFFFEF7, lr;
	s5 =	simm.s32 $0xFFFFFFFF;
	p2 =	slt.u32 s8, $0xFFFFF086  }
0x1c: {  	p1 =	slt.u32 s9, $0xF7A;
	s5 =	simm.s32 @!p2 $0x0  }
0x1d: {  	s5 =	simm.s32 @p1 $0x1;
	p0 =	seq.s32 s7, s2  }
0x1e: {  	s7 =	smul.u32 @!p0 $0xF7A, s2;
	p2 =	seq.s32 @!p0 s5, $0x0  }
0x1f: {  	s9 =	smul.u32 $0xF7A, s1;
	s8 =	simm.s32 @!p0 $0x1BF5;
	p2 =	por !p2, p0  }
0x20: {  	[sflag:s8] =	ssyncset.s32 @!p0 $0xFFFFF086;
	s6 =	sadd.s32 @!p0 s3, s7;
	s7 =	simm.s32 @!p0 $0x108  }
0x21: {  	s3 =	sadd.s32 s3, s9;
	s6 =	sadd.s32 @!p0 $0x88, s6;
	s7 =	simm.s32 @p2 $0x1082  }
0x22: {  	[simem:s7], [sflag:s8] =	dma.local @!p0 [hbm:s6], $0xF7A  }
0x23: {  	s9 =	sor.u32 $0xD0000000, s2;
	s6 =	simm.s32 $0x108;
	_ =	swait.ge @!p0 [sflag:s8], $0x0  }
0x24: {  	s3 =	sadd.s32 $0x88, s3;
	s6 =	simm.s32 @!p1 $0x1082;
	[sflag:s4] =	ssyncset.s32 $0xFFFFF086  }
0x25: {  	[simem:s6], [sflag:s4] =	dma.local [hbm:s3], $0xF7A  }
0x26: {  	[smem:$0x3F9A] =	sst s1;
	(tag) =	ssettag s2;
	_ =	strace s9  }
0x27: {  	s1 =	sld [smem:$0x3FAA]  }
0x28: {  	s2 =	sld [smem:$0x3FAB]  }
0x29: {  	s4 =	sld [smem:$0x3FAD]  }
0x2a: {  	p0 =	seq.s32 s5, $0x0;
	s5 =	sld [smem:$0x3FAE]  }
0x2b: {  	s6 =	sld [smem:$0x3FAF]  }
0x2c: {  	s7 =	sld [smem:$0x3FB0]  }
0x2d: {  	s3 =	simm.s32 $0x108;
	s8 =	sld [smem:$0x3FB1]  }
0x2e: {  	s3 =	simm.s32 @!p0 $0x1082;
	s9 =	sld [smem:$0x3FB2]  }
0x2f: {  	lr =	sadd.s32 s0, s3;
	s0 =	sld [smem:$0x3FA9]  }
0x30: {  	s3 =	sld [smem:$0x3FAC]  }
0x31: {  	[smem:$0x3FB5] =	sst s10  }
0x32: {  	s10 =	sld [smem:$0x3FB3];
	_ =	sdelay $0x3  }
0x33: {  	p0 =	seq.s32 s10, $0x1;
	s10 =	sld [smem:$0x3FB5];
	_ =	sdelay $0x3  }
0x34: {  	[smem:$0x3FB5] =	sst s10  }
0x35: {  	s10 =	sld [smem:$0x3FB4];
	_ =	sdelay $0x3  }
0x36: {  	p1 =	seq.s32 s10, $0x1;
	s10 =	sld [smem:$0x3FB5];
	_ =	sdelay $0x3  }
0x37: {  	[smem:$0x3FB5] =	sst s10  }
0x38: {  	s10 =	sld [smem:$0x3FB6]  }
0x39: {  	_ = 	snop;
	(pc) =	sbr.ind lr, $3  }
0x3a: {  	_ = 	snop  }
0x3b: {  	_ = 	snop  }
0x3c: {  	p2 =	seq.s32 s10, $0x1;
	s10 =	sld [smem:$0x3FB5]  }
0x3d: {  	_ =	shalt  }
0x3e: {  	_ =	shalt  }
0x3f: {  	_ =	shalt  }
0x40: {  	_ =	shalt  }
0x41: {  	_ =	shalt  }
0x42: {  	_ =	shalt  }
0x43: {  	_ =	shalt  }
0x44: {  	_ =	shalt  }
0x45: {  	_ =	shalt  }
0x46: {  	_ =	shalt  }
0x47: {  	_ =	shalt  }
0x48: {  	_ =	shalt  }
0x49: {  	_ =	shalt  }
0x4a: {  	_ =	shalt  }
0x4b: {  	_ =	shalt  }
0x4c: {  	_ =	shalt  }
0x4d: {  	_ =	shalt  }
0x4e: {  	_ =	shalt  }
0x4f: {  	_ =	shalt  }
0x50: {  	_ =	shalt  }
0x51: {  	_ =	shalt  }
0x52: {  	_ =	shalt  }
0x53: {  	_ =	shalt  }
0x54: {  	_ =	shalt  }
0x55: {  	_ =	shalt  }
0x56: {  	_ =	shalt  }
0x57: {  	_ =	shalt  }
0x58: {  	_ =	shalt  }
0x59: {  	_ =	shalt  }
0x5a: {  	_ =	shalt  }
0x5b: {  	_ =	shalt  }
0x5c: {  	_ =	shalt  }
0x5d: {  	_ =	shalt  }
0x5e: {  	_ =	shalt  }
0x5f: {  	_ =	shalt  }
0x60: {  	_ =	shalt  }
0x61: {  	_ =	shalt  }
0x62: {  	_ =	shalt  }
0x63: {  	_ =	shalt  }
0x64: {  	_ =	shalt  }
0x65: {  	_ =	shalt  }
0x66: {  	_ =	shalt  }
0x67: {  	_ =	shalt  }
0x68: {  	_ =	shalt  }
0x69: {  	_ =	shalt  }
0x6a: {  	_ =	shalt  }
0x6b: {  	_ =	shalt  }
0x6c: {  	_ =	shalt  }
0x6d: {  	_ =	shalt  }
0x6e: {  	_ =	shalt  }
0x6f: {  	_ =	shalt  }
0x70: {  	_ =	shalt  }
0x71: {  	_ =	shalt  }
0x72: {  	_ =	shalt  }
0x73: {  	_ =	shalt  }
0x74: {  	_ =	shalt  }
0x75: {  	_ =	shalt  }
0x76: {  	_ =	shalt  }
0x77: {  	_ =	shalt  }
0x78: {  	_ =	shalt  }
0x79: {  	_ =	shalt  }
0x7a: {  	_ =	shalt  }
0x7b: {  	_ =	shalt  }
0x7c: {  	_ =	shalt  }
0x7d: {  	_ =	shalt  }
0x7e: {  	_ =	shalt  }
0x7f: {  	_ =	shalt  }
0x80: {  	_ =	shalt  }
0x81: {  	_ =	shalt  }
0x82: {  	_ =	shalt  }
0x83: {  	_ =	shalt  }
0x84: {  	_ =	shalt  }
0x85: {  	_ =	shalt  }
0x86: {  	_ =	shalt  }
0x87: {  	_ =	shalt  }
.Lfunc_end0:
.L_simem_size_0:
called_computation.1_lowered:
.L_overlay_start_0:
0x88: {  	s2 =	sld [smem:$0x3FD9]  }
0x89: {  	s3 =	sld [smem:$0x3FFE];
	_ =	sdelay $0x1  }
0x8a: {  	s1 =	srdreg.scid  }
0x8b: {  	s0 =	sand.u32 $0x1, s1  }
0x8c: {  	s17 =	sshll.u32 s0, $0xA;
	s2 =	sadd.s32 s3, s2  }
0x8d: {  	s2 =	sadd.s32 s2, s17  }
0x8e: {  	[smem:$0x3FC1] =	sst s2  }
0x8f: {  	_ = 	snop  }
0x90: {  	s2 =	sld [smem:$0x3FD0];
	(tm) =	ssettm $0x1  }
0x91: {  	s18 =	sld [smem:$0x3FFB];
	_ =	sdelay $0x3  }
0x92: {  	_ =	strace s18  }
0x93: {  	s3 =	sld [smem:$0x3FFC];
	_ =	sdelay $0x3  }
0x94: {  	_ =	strace s3  }
0x95: {  	s3 =	sld [smem:$0x3FFD];
	_ =	sdelay $0x3  }
0x96: {  	_ =	strace s3  }
0x97: {  	_ =	strace $0x8FFFFFFF  }
0x98: {  	s19 =	sld [smem:$0x3FDB];
	_ =	sdelay $0x1  }
0x99: {  	s4 =	simm.s32 $_scs_section_size  }
0x9a: {  	s5 =	simm.s32 $_size__tile_overlayer_lowered;
	s6 =	simm.s32 $_tile_overlayer_lowered  }
0x9b: {  	s22 =	simm.s32 $0x1BFF;
	s21 =	sshll.u32 s6, $0x1;
	s3 =	sadd.s32 s4, s19  }
0x9c: {  	s7 =	simm.s32 $0x0;
	s20 =	sshll.u32 s5, $0x1;
	s5 =	sadd.s32 s21, s3  }
0x9d: {  	[timem:s7], [sflag:s22] =	dma.local [hbm:s5], s20  }
0x9e: {  	_ =	swait.ge [sflag:s22], s20  }
0x9f: {  	s4 =	ssub.s32 $0x0, s20;
	[sflag:s22] =	ssyncset.done $0x0  }
0xa0: {  	[sflag:s22] =	ssyncadd.s32 s4;
	_ =	sdelay $0x1  }
0xa1: {  	s23 =	simm.s32 $0x1B8B  }
0xa2: {  	_ =	swait.ge [sflag:s23], $0x1  }
0xa3: {  	[sflag:s23] =	ssyncset.done $0x0  }
0xa4: {  	s25 =	simm.s32 $0x1B8E;
	s24 =	sld [smem:$0x3FFE];
	[sflag:s23] =	ssyncadd.s32 $0xFFFFFFFF  }
0xa5: {  	s26 =	simm.s32 $execute0_lowered;
	[smem:$0x3FD2] =	sst s25  }
0xa6: {  	s5 =	sshll.u32 s26, $0x1;
	_ =	strace $0x80000049;
	[dreg:$0x1] =	wrdreg $0xFFFFFFFF  }
0xa7: {  	s28 =	simm.s32 $_size_execute0_lowered;
	s3 =	sadd.s32 s3, s5;
	[dreg:$0x0] =	wrdreg $0x0  }
0xa8: {  	s5 =	sshll.u32 s28, $0x1;
	[dreg:$0x2] =	wrdreg s3  }
0xa9: {  	[dreg:$0x3] =	wrdreg s5  }
0xaa: {  	[dreg:$0x4] =	wrdreg $0xC0  }
0xab: {  	_ =	task [dreg:s7], $0x5FFFF  }
0xac: {  	[dreg:$0x1] =	wrdreg $0xFFFFFFFF  }
0xad: {  	[dreg:$0x0] =	wrdreg $0x60  }
0xae: {  	[dreg:$0x2] =	wrdreg s24  }
0xaf: {  	[dreg:$0x3] =	wrdreg s2  }
0xb0: {  	[dreg:$0x4] =	wrdreg $0x90000  }
0xb1: {  	[dreg:$0x5] =	wrdreg $0x9  }
0xb2: {  	_ =	task.clear_ibuf [dreg:s7], $0x6FFFF;
	_ =	strace $0x90000049  }
0xb3: {  	s29 =	simm.s32 $0x9;
	_ =	strace $0x8000004B  }
0xb4: {  	_ =	swait.ge [sflag:s29], $0x1  }
0xb5: {  	[sflag:s29] =	ssyncadd.s32 $0xFFFFFFFF  }
0xb6: {  	_ =	strace $0x9000004B  }
0xb7: {  	_ =	sfence  }
0xb8: {  	s30 =	sld [smem:$0x0];
	_ =	sdelay $0x2  }
0xb9: {  	s31 =	sshll.u32 s1, $0xD;
	s1 =	sshrl.u32 s1, $0x2  }
0xba: {  	s3 =	sand.u32 $0x4000, s31;
	s1 =	sadd.s32 s1, s30  }
0xbb: {  	s0 =	sor.u32 s3, s0;
	s1 =	sshll.u32 s1, $0x11  }
0xbc: {  	s0 =	sor.u32 s1, s0  }
0xbd: {  	s0 =	sadd.s32 $0x8F2B, s0  }
0xbe: {  	[sflag:s0] =	ssyncadd.remote.s32 $0x1  }
0xbf: {  	_ =	sfence.sel $0xFFFF  }
0xc0: {  	[dreg:$0x0] =	wrdreg $0xFFFFFFFF;
	(pc) =	sbr.abs _section_cstart, $3  }
0xc1: {  	[dreg:$0x1] =	wrdreg $0xFFFFFFFF  }
0xc2: {  	_ =	task.clear_ibuf [dreg:s7], $0x2FFFF;
	_ =	strace $0x9FFFFFFF  }
0xc3: {  	(tm) =	ssettm $0x7FFFFFFF  }
tec
execute0_lowered:
.L_overlay_start_1:
0x0: {  	(tag) =	ssettag $0x1  }
0x1: {  	s6 =	rddreg [dreg:$0x0]  }
0x2: {  	s2 =	rddreg [dreg:$0x1]  }
0x3: {  	s0 =	srdreg.scid;
	s3 =	rddreg [dreg:$0x2];
	s4 =	simm.s32 $0x0  }
0x4: {  	s14 =	simm.s32 $0x80;
	s5 =	sand.u32 $0x1, s0;
	s0 =	stileid.u32  }
0x5: {  	s15 =	simm.s32 $0x5000;
	s16 =	simm.s32 $0x1;
	s8 =	smul.u32 $0x2800, s0  }
0x6: {  	s17 =	simm.s32 $0x0;
	[smem:$0x7FF] =	sst s4;
	s9 =	smul.u32 $0x28000, s5  }
0x7: {  	s1 =	sshll.u32 s5, $0x4;
	s5 =	ssub.s32 $0x2, s5;
	s10 =	smul.u32 $0x50000, s0  }
0x8: {  	s12 =	sshll.u32 s0, $0x6;
	s1 =	sor.u32 s0, s1;
	s11 =	sshrl.u32 s5, $0x1  }
0x9: {  	s12 =	sor.u32 $0x1C02, s12;
	s7 =	smul.u32 $0x500, s1;
	s1 =	rddreg [dreg:$0x3]  }
0xa: {  	_ =	strace $0x8000004A;
	s9 =	sadd.s32 s8, s9;
	s10 =	sshrl.u32 s10, $0x2  }
0xb: {  	s11 =	ssub.s32 s5, s11;
	s9 =	sadd.s32 s9, s6;
	s13 =	sadd.s32 s10, s3  }
0xc: {  	s10 =	simm.s32 $0x2;
	s7 =	sadd.s32 s7, s6;
	s13 =	sshrl.u32 s13, $0x3  }
0xd: {  	s5 =	sadd.s32 $0xCC00, s7;
	s6 =	sadd.s32 $0x2C00, s7;
	s7 =	sadd.s32 s2, s8  }
0xe: {  	s8 =	sadd.s32 $0x3F400, s9;
	s9 =	smax.u32 s11, $0x1;
	s11 =	simm.s32 $0x2800  }
.LBB2_1:
0xf: {  	[tilespmem:s4], [sflag:$0x2] =	stream.linear.gather [hbm4b:s5+s4], $0x2800, $0x38;
	[tilespmem:$0x1D000] =	vst v63  }
0x10: {  	_ =	swait.ge [sflag:s10], $0x2800  }
0x11: {  	[sflag:s10] =	ssyncset.done $0x0  }
0x12: {  	[sflag:s10] =	ssyncadd.s32 $0xFFFFD800  }
0x13: {  	[tilespmem:s11], [sflag:$0x2] =	stream.linear.gather [hbm4b:s6+s4], $0x2800, $0x38;
	[tilespmem:$0x1D000] =	vst v63  }
0x14: {  	_ =	swait.ge [sflag:s10], $0x2800  }
0x15: {  	[sflag:s10] =	ssyncset.done $0x0  }
0x16: {  	[sflag:s10] =	ssyncadd.s32 $0xFFFFD800  }
0x17: {  	[spmem:s13], [sflag:s12] =	dma.local [hbm:s7], $0x2800  }
0x18: {  	_ =	swait.ge [sflag:s10], $0x2800  }
0x19: {  	[sflag:s10] =	ssyncset.done $0x0  }
0x1a: {  	[sflag:s10] =	ssyncadd.s32 $0xFFFFD800  }
0x1b: {  	s18 =	simm.s32 $0x0;
	[bflag:$0x0] =	sbarrier.arrive $0xFFFF  }
0x1c: {  	[tilespmem:s15], [sflag:$0x1] =	stream.indirect.gather [hbm4b:s2+s14], $0x80, s18, s14, $0xb8;
	[tilespmem:$0x1D000] =	vst v63  }
0x1d: {  	_ =	swait.ge [sflag:s16], $0x4000  }
0x1e: {  	[sflag:s16] =	ssyncset.done $0x0  }
0x1f: {  	s31 =	simm.s32 $0x2800;
	[sflag:s16] =	ssyncadd.s32 $0xFFFFC000  }
0x20: {  	[spmem:s3] =	stream.indirect.scatter.add.f32 [tilespmem:s15], [sflag:$0x2], $0x80, s31, s14, $0xb8;
	[tilespmem:$0x1D000] =	vst v63  }
0x21: {  	_ =	swait.ge [sflag:s10], $0x4000  }
0x22: {  	s19 =	simm.s32 $0x400;
	s18 =	simm.s32 $0x200;
	[sflag:s10] =	ssyncset.done $0x0  }
.LBB2_2:
0x23: {  	s20 =	sshra.s32 s18, $0x2  }
0x24: {  	[sflag:s10] =	ssyncadd.s32 $0xFFFFC000;
	s18 =	smov.u32 s19;
	s21 =	sadd.s32 $0x200, s19  }
0x25: {  	[tilespmem:s15], [sflag:$0x1] =	stream.indirect.gather [hbm4b:s2+s14], $0x80, s20, s14, $0xb8;
	[tilespmem:$0x1D000] =	vst v63  }
0x26: {  	p0 =	sne.s32 s19, $0x9E00;
	_ =	swait.ge [sflag:s16], $0x4000  }
.Ltmp0:
0x27: {  	[sflag:s16] =	ssyncset.done $0x0;
	(pc) =	sbr.rel @p0 .LBB2_2-.Ltmp0, $4  }
0x28: {  	s19 =	sadd.s32 $0x2800, s20;
	[sflag:s16] =	ssyncadd.s32 $0xFFFFC000  }
0x29: {  	[spmem:s3] =	stream.indirect.scatter.add.f32 [tilespmem:s15], [sflag:$0x2], $0x80, s19, s14, $0xb8;
	[tilespmem:$0x1D000] =	vst v63  }
0x2a: {  	_ =	swait.ge [sflag:s10], $0x4000  }
0x2b: {  	s19 =	smov.u32 s21;
	[sflag:s10] =	ssyncset.done $0x0  }
0x2c: {  	s18 =	sshra.s32 s18, $0x2;
	[sflag:s10] =	ssyncadd.s32 $0xFFFFC000  }
0x2d: {  	[tilespmem:s15], [sflag:$0x1] =	stream.indirect.gather [hbm4b:s2+s14], $0x80, s18, s14, $0xb8;
	[tilespmem:$0x1D000] =	vst v63  }
0x2e: {  	_ =	swait.ge [sflag:s16], $0x4000  }
0x2f: {  	[sflag:s16] =	ssyncset.done $0x0  }
0x30: {  	s18 =	sadd.s32 $0x2800, s18;
	[sflag:s16] =	ssyncadd.s32 $0xFFFFC000  }
0x31: {  	[spmem:s3] =	stream.indirect.scatter.add.f32 [tilespmem:s15], [sflag:$0x2], $0x80, s18, s14, $0xb8;
	[tilespmem:$0x1D000] =	vst v63  }
0x32: {  	_ =	swait.ge [sflag:s10], $0x4000  }
0x33: {  	s17 =	sadd.s32 $0x1, s17;
	[sflag:s10] =	ssyncset.done $0x0  }
0x34: {  	p0 =	sne.s32 s17, s9;
	[sflag:s10] =	ssyncadd.s32 $0xFFFFC000  }
.Ltmp1:
0x35: {  	[bflag:$0x0] =	sbarrier.arrive $0xFFFF;
	(pc) =	sbr.rel @p0 .LBB2_1-.Ltmp1, $4  }
0x36: {  	[hbm:s8], [sflag:s12] =	dma.local [spmem:s13], $0x2800  }
0x37: {  	_ =	swait.ge [sflag:s10], $0x2800  }
0x38: {  	[sflag:s10] =	ssyncset.done $0x0  }
0x39: {  	[sflag:s10] =	ssyncadd.s32 $0xFFFFD800  }
0x3a: {  	_ =	sfence.sel $0x180000  }
0x3b: {  	[bflag:$0x0] =	sbarrier.arrive $0xFFFF  }
0x3c: {  	p0 =	sne.s32 s0, $0x0;
	_ =	strace $0x9000004A  }
0x3d: {  	s0 =	sadd.s32 @!p0 $0x100000, s1;
	[bflag:$0x2] =	sbarrier.arrive $0xFFFF  }
0x3e: {  	[sflag:s0] =	ssyncadd.tile.s32 @!p0 $0x1;
	_ =	shalt  }
.Lfunc_end2:
_tile_overlayer_lowered:
.L_overlay_start_2:
0x3f: {  	(tag) =	ssettag $0x2  }
0x40: {  	s0 =	rddreg [dreg:$0x0];
	s2 =	stileid.u32  }
0x41: {  	s1 =	rddreg [dreg:$0x1];
	p0 =	sne.s32 s2, $0x0  }
0x42: {  	s3 =	rddreg [dreg:$0x2];
	[bflag:$0x3] =	sbarrier.arrive $0xFFFF;
	s2 =	simm.s32 @!p0 $0x1C02  }
0x43: {  	[timem:s3], [sflag:s2] =	dma.local @!p0 [hbm:s0], s1  }
0x44: {  	s0 =	simm.s32 @!p0 $0x2  }
0x45: {  	_ =	swait.ge @!p0 [sflag:s0], s1  }
0x46: {  	s1 =	ssub.s32 @!p0 $0x0, s1;
	[sflag:s0] =	ssyncset.done @!p0 $0x0  }
0x47: {  	[sflag:s0] =	ssyncadd.s32 @!p0 s1  }
0x48: {  	[bflag:$0x3] =	sbarrier.arrive $0xFFFF  }
0x49: {  	_ =	shalt  }

// kernel: kernel.7.cloned.1.call-start
scs
__scs_entry_jumppad:
0x0: {  	(pc) =	sbr.rel $0x88, $3  }
0x1: {  	(tag) =	ssettag $0x0;
	lr =	simm.s32 $0x1  }
0x2: {  	[smem:$0x3F9A] =	sst lr;
	_ =	strace $0xD0000000  }
0x3: {  	_ = 	snop  }
0x4: {  	_ = 	snop  }
0x5: {  	_ = 	snop  }
0x6: {  	_ = 	snop  }
0x7: {  	_ = 	snop  }
__scs_overlays_trampoline_lowered:
0x8: {  	[smem:$0x3FA9] =	sst s0  }
0x9: {  	[smem:$0x3FAA] =	sst s1  }
0xa: {  	[smem:$0x3FAB] =	sst s2  }
0xb: {  	[smem:$0x3FAC] =	sst s3  }
0xc: {  	[smem:$0x3FAD] =	sst s4  }
0xd: {  	[smem:$0x3FAE] =	sst s5  }
0xe: {  	[smem:$0x3FAF] =	sst s6  }
0xf: {  	[smem:$0x3FB0] =	sst s7  }
0x10: {  	[smem:$0x3FB1] =	sst s8  }
0x11: {  	[smem:$0x3FB2] =	sst s9;
	s0 =	simm.s32 @!p0 $0x0  }
0x12: {  	s1 =	sld [smem:$0x3F98];
	s0 =	simm.s32 @p0 $0x1  }
0x13: {  	[smem:$0x3FB3] =	sst s0;
	s0 =	simm.s32 @!p1 $0x0  }
0x14: {  	s2 =	sld [smem:$0x3F97];
	s0 =	simm.s32 @p1 $0x1  }
0x15: {  	[smem:$0x3FB4] =	sst s0;
	s0 =	simm.s32 @!p2 $0x0  }
0x16: {  	s3 =	sld [smem:$0x3FDB];
	s0 =	simm.s32 @p2 $0x1  }
0x17: {  	s4 =	simm.s32 $0x1BF5;
	[smem:$0x3FB6] =	sst s0  }
0x18: {  	s0 =	sld [smem:$0x3F99];
	_ =	swait.ge [sflag:s4], $0x0  }
0x19: {  	s7 =	sld [smem:$0x3F9A]  }
0x1a: {  	s8 =	sadd.s32 $0xFFFFE003, lr  }
0x1b: {  	s9 =	sadd.s32 $0xFFFFFEF7, lr;
	s5 =	simm.s32 $0xFFFFFFFF;
	p2 =	slt.u32 s8, $0xFFFFF086  }
0x1c: {  	p1 =	slt.u32 s9, $0xF7A;
	s5 =	simm.s32 @!p2 $0x0  }
0x1d: {  	s5 =	simm.s32 @p1 $0x1;
	p0 =	seq.s32 s7, s2  }
0x1e: {  	s7 =	smul.u32 @!p0 $0xF7A, s2;
	p2 =	seq.s32 @!p0 s5, $0x0  }
0x1f: {  	s9 =	smul.u32 $0xF7A, s1;
	s8 =	simm.s32 @!p0 $0x1BF5;
	p2 =	por !p2, p0  }
0x20: {  	[sflag:s8] =	ssyncset.s32 @!p0 $0xFFFFF086;
	s6 =	sadd.s32 @!p0 s3, s7;
	s7 =	simm.s32 @!p0 $0x108  }
0x21: {  	s3 =	sadd.s32 s3, s9;
	s6 =	sadd.s32 @!p0 $0x88, s6;
	s7 =	simm.s32 @p2 $0x1082  }
0x22: {  	[simem:s7], [sflag:s8] =	dma.local @!p0 [hbm:s6], $0xF7A  }
0x23: {  	s9 =	sor.u32 $0xD0000000, s2;
	s6 =	simm.s32 $0x108;
	_ =	swait.ge @!p0 [sflag:s8], $0x0  }
0x24: {  	s3 =	sadd.s32 $0x88, s3;
	s6 =	simm.s32 @!p1 $0x1082;
	[sflag:s4] =	ssyncset.s32 $0xFFFFF086  }
0x25: {  	[simem:s6], [sflag:s4] =	dma.local [hbm:s3], $0xF7A  }
0x26: {  	[smem:$0x3F9A] =	sst s1;
	(tag) =	ssettag s2;
	_ =	strace s9  }
0x27: {  	s1 =	sld [smem:$0x3FAA]  }
0x28: {  	s2 =	sld [smem:$0x3FAB]  }
0x29: {  	s4 =	sld [smem:$0x3FAD]  }
0x2a: {  	p0 =	seq.s32 s5, $0x0;
	s5 =	sld [smem:$0x3FAE]  }
0x2b: {  	s6 =	sld [smem:$0x3FAF]  }
0x2c: {  	s7 =	sld [smem:$0x3FB0]  }
0x2d: {  	s3 =	simm.s32 $0x108;
	s8 =	sld [smem:$0x3FB1]  }
0x2e: {  	s3 =	simm.s32 @!p0 $0x1082;
	s9 =	sld [smem:$0x3FB2]  }
0x2f: {  	lr =	sadd.s32 s0, s3;
	s0 =	sld [smem:$0x3FA9]  }
0x30: {  	s3 =	sld [smem:$0x3FAC]  }
0x31: {  	[smem:$0x3FB5] =	sst s10  }
0x32: {  	s10 =	sld [smem:$0x3FB3];
	_ =	sdelay $0x3  }
0x33: {  	p0 =	seq.s32 s10, $0x1;
	s10 =	sld [smem:$0x3FB5];
	_ =	sdelay $0x3  }
0x34: {  	[smem:$0x3FB5] =	sst s10  }
0x35: {  	s10 =	sld [smem:$0x3FB4];
	_ =	sdelay $0x3  }
0x36: {  	p1 =	seq.s32 s10, $0x1;
	s10 =	sld [smem:$0x3FB5];
	_ =	sdelay $0x3  }
0x37: {  	[smem:$0x3FB5] =	sst s10  }
0x38: {  	s10 =	sld [smem:$0x3FB6]  }
0x39: {  	_ = 	snop;
	(pc) =	sbr.ind lr, $3  }
0x3a: {  	_ = 	snop  }
0x3b: {  	_ = 	snop  }
0x3c: {  	p2 =	seq.s32 s10, $0x1;
	s10 =	sld [smem:$0x3FB5]  }
0x3d: {  	_ =	shalt  }
0x3e: {  	_ =	shalt  }
0x3f: {  	_ =	shalt  }
0x40: {  	_ =	shalt  }
0x41: {  	_ =	shalt  }
0x42: {  	_ =	shalt  }
0x43: {  	_ =	shalt  }
0x44: {  	_ =	shalt  }
0x45: {  	_ =	shalt  }
0x46: {  	_ =	shalt  }
0x47: {  	_ =	shalt  }
0x48: {  	_ =	shalt  }
0x49: {  	_ =	shalt  }
0x4a: {  	_ =	shalt  }
0x4b: {  	_ =	shalt  }
0x4c: {  	_ =	shalt  }
0x4d: {  	_ =	shalt  }
0x4e: {  	_ =	shalt  }
0x4f: {  	_ =	shalt  }
0x50: {  	_ =	shalt  }
0x51: {  	_ =	shalt  }
0x52: {  	_ =	shalt  }
0x53: {  	_ =	shalt  }
0x54: {  	_ =	shalt  }
0x55: {  	_ =	shalt  }
0x56: {  	_ =	shalt  }
0x57: {  	_ =	shalt  }
0x58: {  	_ =	shalt  }
0x59: {  	_ =	shalt  }
0x5a: {  	_ =	shalt  }
0x5b: {  	_ =	shalt  }
0x5c: {  	_ =	shalt  }
0x5d: {  	_ =	shalt  }
0x5e: {  	_ =	shalt  }
0x5f: {  	_ =	shalt  }
0x60: {  	_ =	shalt  }
0x61: {  	_ =	shalt  }
0x62: {  	_ =	shalt  }
0x63: {  	_ =	shalt  }
0x64: {  	_ =	shalt  }
0x65: {  	_ =	shalt  }
0x66: {  	_ =	shalt  }
0x67: {  	_ =	shalt  }
0x68: {  	_ =	shalt  }
0x69: {  	_ =	shalt  }
0x6a: {  	_ =	shalt  }
0x6b: {  	_ =	shalt  }
0x6c: {  	_ =	shalt  }
0x6d: {  	_ =	shalt  }
0x6e: {  	_ =	shalt  }
0x6f: {  	_ =	shalt  }
0x70: {  	_ =	shalt  }
0x71: {  	_ =	shalt  }
0x72: {  	_ =	shalt  }
0x73: {  	_ =	shalt  }
0x74: {  	_ =	shalt  }
0x75: {  	_ =	shalt  }
0x76: {  	_ =	shalt  }
0x77: {  	_ =	shalt  }
0x78: {  	_ =	shalt  }
0x79: {  	_ =	shalt  }
0x7a: {  	_ =	shalt  }
0x7b: {  	_ =	shalt  }
0x7c: {  	_ =	shalt  }
0x7d: {  	_ =	shalt  }
0x7e: {  	_ =	shalt  }
0x7f: {  	_ =	shalt  }
0x80: {  	_ =	shalt  }
0x81: {  	_ =	shalt  }
0x82: {  	_ =	shalt  }
0x83: {  	_ =	shalt  }
0x84: {  	_ =	shalt  }
0x85: {  	_ =	shalt  }
0x86: {  	_ =	shalt  }
0x87: {  	_ =	shalt  }
.Lfunc_end0:
.L_simem_size_0:
called_computation_lowered:
.L_overlay_start_0:
0x88: {  	s2 =	sld [smem:$0x3FD9]  }
0x89: {  	s3 =	sld [smem:$0x3FFE];
	_ =	sdelay $0x1  }
0x8a: {  	s1 =	srdreg.scid  }
0x8b: {  	s0 =	sand.u32 $0x1, s1  }
0x8c: {  	s17 =	sshll.u32 s0, $0xA;
	s2 =	sadd.s32 s3, s2  }
0x8d: {  	s2 =	sadd.s32 s2, s17  }
0x8e: {  	[smem:$0x3FC1] =	sst s2  }
0x8f: {  	_ = 	snop  }
0x90: {  	s2 =	sld [smem:$0x3FD0];
	(tm) =	ssettm $0x1  }
0x91: {  	s18 =	sld [smem:$0x3FFB];
	_ =	sdelay $0x3  }
0x92: {  	_ =	strace s18  }
0x93: {  	s3 =	sld [smem:$0x3FFC];
	_ =	sdelay $0x3  }
0x94: {  	_ =	strace s3  }
0x95: {  	s3 =	sld [smem:$0x3FFD];
	_ =	sdelay $0x3  }
0x96: {  	_ =	strace s3  }
0x97: {  	_ =	strace $0x8FFFFFFF  }
0x98: {  	s19 =	sld [smem:$0x3FDB];
	_ =	sdelay $0x1  }
0x99: {  	s4 =	simm.s32 $_scs_section_size  }
0x9a: {  	s5 =	simm.s32 $_size__tile_overlayer_lowered;
	s6 =	simm.s32 $_tile_overlayer_lowered  }
0x9b: {  	s22 =	simm.s32 $0x1BFF;
	s21 =	sshll.u32 s6, $0x1;
	s3 =	sadd.s32 s4, s19  }
0x9c: {  	s7 =	simm.s32 $0x0;
	s20 =	sshll.u32 s5, $0x1;
	s5 =	sadd.s32 s21, s3  }
0x9d: {  	[timem:s7], [sflag:s22] =	dma.local [hbm:s5], s20  }
0x9e: {  	_ =	swait.ge [sflag:s22], s20  }
0x9f: {  	s4 =	ssub.s32 $0x0, s20;
	[sflag:s22] =	ssyncset.done $0x0  }
0xa0: {  	[sflag:s22] =	ssyncadd.s32 s4;
	_ =	sdelay $0x1  }
0xa1: {  	s23 =	simm.s32 $0x1B8B  }
0xa2: {  	_ =	swait.ge [sflag:s23], $0x1  }
0xa3: {  	[sflag:s23] =	ssyncset.done $0x0  }
0xa4: {  	s25 =	simm.s32 $0x1B8E;
	s24 =	sld [smem:$0x3FFE];
	[sflag:s23] =	ssyncadd.s32 $0xFFFFFFFF  }
0xa5: {  	s26 =	simm.s32 $execute0_lowered;
	[smem:$0x3FD2] =	sst s25  }
0xa6: {  	s5 =	sshll.u32 s26, $0x1;
	_ =	strace $0x80000046;
	[dreg:$0x1] =	wrdreg $0xFFFFFFFF  }
0xa7: {  	s28 =	simm.s32 $_size_execute0_lowered;
	s3 =	sadd.s32 s3, s5;
	[dreg:$0x0] =	wrdreg $0x0  }
0xa8: {  	s5 =	sshll.u32 s28, $0x1;
	[dreg:$0x2] =	wrdreg s3  }
0xa9: {  	[dreg:$0x3] =	wrdreg s5  }
0xaa: {  	[dreg:$0x4] =	wrdreg $0xC0  }
0xab: {  	_ =	task [dreg:s7], $0x5FFFF  }
0xac: {  	[dreg:$0x1] =	wrdreg $0xFFFFFFFF  }
0xad: {  	[dreg:$0x0] =	wrdreg $0x60  }
0xae: {  	[dreg:$0x2] =	wrdreg s24  }
0xaf: {  	[dreg:$0x3] =	wrdreg s2  }
0xb0: {  	[dreg:$0x4] =	wrdreg $0x68000  }
0xb1: {  	[dreg:$0x5] =	wrdreg $0x9  }
0xb2: {  	_ =	task.clear_ibuf [dreg:s7], $0x6FFFF;
	_ =	strace $0x90000046  }
0xb3: {  	s29 =	simm.s32 $0x9;
	_ =	strace $0x80000048  }
0xb4: {  	_ =	swait.ge [sflag:s29], $0x1  }
0xb5: {  	[sflag:s29] =	ssyncadd.s32 $0xFFFFFFFF  }
0xb6: {  	_ =	strace $0x90000048  }
0xb7: {  	_ =	sfence  }
0xb8: {  	s30 =	sld [smem:$0x0];
	_ =	sdelay $0x2  }
0xb9: {  	s31 =	sshll.u32 s1, $0xD;
	s1 =	sshrl.u32 s1, $0x2  }
0xba: {  	s3 =	sand.u32 $0x4000, s31;
	s1 =	sadd.s32 s1, s30  }
0xbb: {  	s0 =	sor.u32 s3, s0;
	s1 =	sshll.u32 s1, $0x11  }
0xbc: {  	s0 =	sor.u32 s1, s0  }
0xbd: {  	s0 =	sadd.s32 $0x8F2B, s0  }
0xbe: {  	[sflag:s0] =	ssyncadd.remote.s32 $0x1  }
0xbf: {  	_ =	sfence.sel $0xFFFF  }
0xc0: {  	[dreg:$0x0] =	wrdreg $0xFFFFFFFF;
	(pc) =	sbr.abs _section_cstart, $3  }
0xc1: {  	[dreg:$0x1] =	wrdreg $0xFFFFFFFF  }
0xc2: {  	_ =	task.clear_ibuf [dreg:s7], $0x2FFFF;
	_ =	strace $0x9FFFFFFF  }
0xc3: {  	(tm) =	ssettm $0x7FFFFFFF  }
tec
execute0_lowered:
.L_overlay_start_1:
0x0: {  	(tag) =	ssettag $0x1  }
0x1: {  	s4 =	rddreg [dreg:$0x0]  }
0x2: {  	s0 =	srdreg.scid;
	s11 =	rddreg [dreg:$0x1]  }
0x3: {  	s2 =	rddreg [dreg:$0x2];
	s3 =	simm.s32 $0x0;
	s14 =	simm.s32 $0x2800  }
0x4: {  	s15 =	simm.s32 $0x80;
	s5 =	sand.u32 $0x1, s0;
	s0 =	stileid.u32  }
0x5: {  	s16 =	simm.s32 $0x1;
	s19 =	simm.s32 $0x0;
	s7 =	smul.u32 $0x50000, s0  }
0x6: {  	[smem:$0x7FF] =	sst s3;
	s1 =	sshll.u32 s5, $0x4;
	s9 =	smul.u32 $0x2800, s0  }
0x7: {  	s8 =	ssub.s32 $0x2, s5;
	s12 =	smul.u32 $0x28000, s5;
	s17 =	sshll.u32 s0, $0x6  }
0x8: {  	s6 =	sor.u32 s0, s1;
	s1 =	rddreg [dreg:$0x3];
	_ =	strace $0x80000047  }
0x9: {  	s10 =	sshrl.u32 s8, $0x1;
	s17 =	sor.u32 $0x1C02, s17;
	s6 =	smul.u32 $0x500, s6  }
0xa: {  	s7 =	sshrl.u32 s7, $0x2;
	s13 =	ssub.s32 s8, s10;
	s12 =	sadd.s32 s9, s12  }
0xb: {  	s11 =	sadd.s32 s11, s12;
	s12 =	smax.u32 s13, $0x1;
	s6 =	sadd.s32 s6, s4  }
0xc: {  	s13 =	simm.s32 $0x2;
	s5 =	sadd.s32 $0x2C00, s6;
	s6 =	sadd.s32 s7, s2  }
0xd: {  	s4 =	sadd.s32 $0x16C00, s4;
	s7 =	sadd.s32 $0x4000, s6;
	s8 =	sadd.s32 $0x8000, s6  }
0xe: {  	s9 =	sadd.s32 $0xC000, s6;
	s10 =	sadd.s32 $0x10000, s6;
	s18 =	sshrl.u32 s6, $0x3  }
.LBB2_1:
0xf: {  	[tilespmem:s3], [sflag:$0x2] =	stream.linear.gather [hbm4b:s5+s3], $0x2800, $0x38;
	[tilespmem:$0x7C00] =	vst v63  }
0x10: {  	_ =	swait.ge [sflag:s13], $0x2800  }
0x11: {  	[sflag:s13] =	ssyncset.done $0x0  }
0x12: {  	[sflag:s13] =	ssyncadd.s32 $0xFFFFD800  }
0x13: {  	[tilespmem:s14], [sflag:$0x2] =	stream.linear.gather [hbm4b:s4+s3], $0x4000, $0x38;
	[tilespmem:$0x7C00] =	vst v63  }
0x14: {  	_ =	swait.ge [sflag:s13], $0x4000  }
0x15: {  	[sflag:s13] =	ssyncset.done $0x0  }
0x16: {  	[sflag:s13] =	ssyncadd.s32 $0xFFFFC000  }
0x17: {  	[spmem:s6] =	stream.linear.scatter [tilespmem:s14], [sflag:$0x2], $0x4000, $0x38;
	[tilespmem:$0x7C00] =	vst v63  }
0x18: {  	_ =	swait.ge [sflag:s13], $0x4000  }
0x19: {  	[sflag:s13] =	ssyncset.done $0x0  }
0x1a: {  	[sflag:s13] =	ssyncadd.s32 $0xFFFFC000  }
0x1b: {  	[spmem:s7] =	stream.linear.scatter [tilespmem:s14], [sflag:$0x2], $0x4000, $0x38;
	[tilespmem:$0x7C00] =	vst v63  }
0x1c: {  	_ =	swait.ge [sflag:s13], $0x4000  }
0x1d: {  	[sflag:s13] =	ssyncset.done $0x0  }
0x1e: {  	[sflag:s13] =	ssyncadd.s32 $0xFFFFC000  }
0x1f: {  	[spmem:s8] =	stream.linear.scatter [tilespmem:s14], [sflag:$0x2], $0x4000, $0x38;
	[tilespmem:$0x7C00] =	vst v63  }
0x20: {  	_ =	swait.ge [sflag:s13], $0x4000  }
0x21: {  	[sflag:s13] =	ssyncset.done $0x0  }
0x22: {  	[sflag:s13] =	ssyncadd.s32 $0xFFFFC000  }
0x23: {  	[spmem:s9] =	stream.linear.scatter [tilespmem:s14], [sflag:$0x2], $0x4000, $0x38;
	[tilespmem:$0x7C00] =	vst v63  }
0x24: {  	_ =	swait.ge [sflag:s13], $0x4000  }
0x25: {  	[sflag:s13] =	ssyncset.done $0x0  }
0x26: {  	[sflag:s13] =	ssyncadd.s32 $0xFFFFC000  }
0x27: {  	[spmem:s10] =	stream.linear.scatter [tilespmem:s14], [sflag:$0x2], $0x4000, $0x38;
	[tilespmem:$0x7C00] =	vst v63  }
0x28: {  	_ =	swait.ge [sflag:s13], $0x4000  }
0x29: {  	[sflag:s13] =	ssyncset.done $0x0  }
0x2a: {  	[sflag:s13] =	ssyncadd.s32 $0xFFFFC000  }
0x2b: {  	s20 =	simm.s32 $0x0;
	[bflag:$0x0] =	sbarrier.arrive $0xFFFF  }
.LBB2_2:
0x2c: {  	p0 =	sne.s32 s20, $0x9E00  }
.Ltmp0:
0x2d: {  	_ = 	snop;
	(pc) =	sbr.rel @p0 .LBB2_2-.Ltmp0, $3  }
0x2e: {  	_ =	sdelay $0x1  }
0x2f: {  	s21 =	sshra.s32 s20, $0x2;
	s20 =	sadd.s32 $0x200, s20  }
0x30: {  	[spmem:s2] =	stream.indirect.scatter.add.f32 [tilespmem:s14], [sflag:$0x1], $0x8, s21, s15, $0xb8;
	[tilespmem:$0x7C00] =	vst v63  }
0x31: {  	_ =	swait.ge [sflag:s16], $0x400  }
0x32: {  	s20 =	simm.s32 $0x4F;
	[sflag:s16] =	ssyncset.done $0x0  }
.LBB2_4:
0x33: {  	p0 =	sne.s32 s20, $0x1;
	s20 =	sadd.s32 $0xFFFFFFFF, s20;
	[sflag:s16] =	ssyncadd.s32 $0xFFFFFC00  }
.Ltmp1:
0x34: {  	(pc) =	sbr.rel @p0 .LBB2_4-.Ltmp1, $3  }
0x35: {  	_ =	sdelay $0x1  }
0x36: {  	_ =	swait.ge [sflag:s16], $0x400  }
0x37: {  	[sflag:s16] =	ssyncset.done $0x0  }
0x38: {  	s19 =	sadd.s32 $0x1, s19  }
0x39: {  	[sflag:s16] =	ssyncadd.s32 $0xFFFFFC00;
	p0 =	sne.s32 s19, s12  }
.Ltmp2:
0x3a: {  	[bflag:$0x0] =	sbarrier.arrive $0xFFFF;
	(pc) =	sbr.rel @p0 .LBB2_1-.Ltmp2, $4  }
0x3b: {  	[hbm:s11], [sflag:s17] =	dma.local [spmem:s18], $0x2800  }
0x3c: {  	_ =	swait.ge [sflag:s13], $0x2800  }
0x3d: {  	[sflag:s13] =	ssyncset.done $0x0  }
0x3e: {  	[sflag:s13] =	ssyncadd.s32 $0xFFFFD800  }
0x3f: {  	_ =	sfence.sel $0x180000  }
0x40: {  	[bflag:$0x0] =	sbarrier.arrive $0xFFFF  }
0x41: {  	p0 =	sne.s32 s0, $0x0;
	_ =	strace $0x90000047  }
0x42: {  	s0 =	sadd.s32 @!p0 $0x100000, s1;
	[bflag:$0x2] =	sbarrier.arrive $0xFFFF  }
0x43: {  	[sflag:s0] =	ssyncadd.tile.s32 @!p0 $0x1;
	_ =	shalt  }
.Lfunc_end2:
_tile_overlayer_lowered:
.L_overlay_start_2:
0x44: {  	(tag) =	ssettag $0x2  }
0x45: {  	s0 =	rddreg [dreg:$0x0];
	s2 =	stileid.u32  }
0x46: {  	s1 =	rddreg [dreg:$0x1];
	p0 =	sne.s32 s2, $0x0  }
0x47: {  	s3 =	rddreg [dreg:$0x2];
	[bflag:$0x3] =	sbarrier.arrive $0xFFFF;
	s2 =	simm.s32 @!p0 $0x1C02  }
0x48: {  	[timem:s3], [sflag:s2] =	dma.local @!p0 [hbm:s0], s1  }
0x49: {  	s0 =	simm.s32 @!p0 $0x2  }
0x4a: {  	_ =	swait.ge @!p0 [sflag:s0], s1  }
0x4b: {  	s1 =	ssub.s32 @!p0 $0x0, s1;
	[sflag:s0] =	ssyncset.done @!p0 $0x0  }
0x4c: {  	[sflag:s0] =	ssyncadd.s32 @!p0 s1  }
0x4d: {  	[bflag:$0x3] =	sbarrier.arrive $0xFFFF  }
0x4e: {  	_ =	shalt  }

</sc_bundles>
